<compile_context>
chip_gen: v7x
topology: tpu7x:2x2x1
jax: 0.10.2.dev20260603
libtpu: 0.0.44.dev20260713+nightly
codegen_flags: <defaults>
</compile_context>

<pallas_src>
import functools

import jax
import jax.numpy as jnp
from jax import lax
from jax.experimental import pallas as pl
from jax.experimental.pallas import tpu as pltpu
from jax.experimental.pallas import tpu_sc as plsc

NUM_CLASSES = 1000000
D_MODEL = 64
BATCH = 4096
SEQ = 200

_NC = 2
_NS = 16
_NW = _NC * _NS

_B = BATCH * SEQ
_CHUNK = 128
_PER_W = _B // _NW
_NCHUNK = _PER_W // _CHUNK
_NBUF = 4


def _body(idx_hbm, table_hbm, out_hbm, idx_v, bufs, gsems, osems):
  wid = lax.axis_index("s") * _NC + lax.axis_index("c")
  base = wid * _PER_W

  pltpu.sync_copy(idx_hbm.at[wid], idx_v)

  for b in range(_NBUF):
    pltpu.async_copy(table_hbm.at[idx_v.at[b]], bufs.at[b], gsems.at[b])

  @pl.loop(0, _NCHUNK, step=_NBUF)
  def _(c0):
    for b in range(_NBUF):
      c = c0 + b
      pltpu.make_async_copy(table_hbm.at[idx_v.at[b]], bufs.at[b],
                            gsems.at[b]).wait()
      pltpu.async_copy(bufs.at[b], out_hbm.at[pl.ds(base + c * _CHUNK, _CHUNK)],
                       osems.at[b])

    for b in range(_NBUF):
      c = c0 + b
      nxt = c + _NBUF
      pltpu.make_async_copy(bufs.at[b],
                            out_hbm.at[pl.ds(base + c * _CHUNK, _CHUNK)],
                            osems.at[b]).wait()

      @pl.when(nxt < _NCHUNK)
      def _():
        pltpu.async_copy(table_hbm.at[idx_v.at[nxt]], bufs.at[b],
                         gsems.at[b])


@functools.partial(jax.jit, static_argnames=())
def _run(classes_flat, class_embedding):
  idx3 = classes_flat.reshape(_NW, _NCHUNK, _CHUNK)
  f = pl.kernel(
      _body,
      out_type=jax.ShapeDtypeStruct((_B, D_MODEL), jnp.float32),
      mesh=plsc.VectorSubcoreMesh(core_axis_name="c", subcore_axis_name="s"),
      compiler_params=pltpu.CompilerParams(use_tc_tiling_on_sc=False),
      scratch_types=[
          pltpu.VMEM((_NCHUNK, _CHUNK), jnp.int32),
          pltpu.VMEM((_NBUF, _CHUNK, D_MODEL), jnp.float32),
          pltpu.SemaphoreType.DMA((_NBUF,)),
          pltpu.SemaphoreType.DMA((_NBUF,)),
      ],
  )
  return f(idx3, class_embedding)


def kernel(classes, bbs, class_embedding):
  del bbs
  out = _run(classes.reshape(-1).astype(jnp.int32), class_embedding)
  return out.reshape(BATCH, SEQ, D_MODEL)

# --- scband reference (transcript-rebuilt; emitter-appended) ---
"""Pipeline reference for scband-embeddings-36283883716857 (READ-ONLY COPY).

The authoritative reference and input builder live on the scoring server;
editing this copy changes nothing except your own understanding.
"""

import jax, jax.numpy as jnp
import numpy as np

NUM_CLASSES = 1000000
D_MODEL = 64
BATCH = 4096
SEQ = 200

def setup_inputs(seed: int = 0) -> dict:
    key = jax.random.key(seed)
    k1, k2, k3 = jax.random.split(key, 3)
    classes = jax.random.randint(k1, (BATCH, SEQ), 0, NUM_CLASSES, dtype=jnp.int64 if jax.config.read('jax_enable_x64') else jnp.int32)
    bbs = jax.random.normal(k2, (BATCH, SEQ, 4), dtype=jnp.float32)
    class_embedding = jax.random.normal(k3, (NUM_CLASSES, D_MODEL), dtype=jnp.float32)
    return {"classes": classes, "bbs": bbs, "class_embedding": class_embedding}

def reference(classes, bbs, class_embedding):
    # Faithful translation: forward only uses the class embedding lookup;
    # bbs is accepted but unused (matching the original module).
    output = jnp.take(class_embedding, classes, axis=0)
    return output

if __name__ == "__main__":
    import jax
    _d = setup_inputs()
    print(jax.jit(kernel)(*tuple(_d.values())))

</pallas_src>

<mosaic_0001>
#map = affine_map<(d0, d1) -> (0, 0, 0)>
#map1 = affine_map<(d0, d1) -> (0, 0)>
module attributes {stable_mosaic.version = 14 : i64} {
  func.func @_body(%arg0: i32, %arg1: i32, %arg2: memref<32x200x128xi32, #tpu.memory_space<hbm>>, %arg3: memref<1000000x64xf32, #tpu.memory_space<hbm>>, %arg4: memref<819200x64xf32, #tpu.memory_space<hbm>>, %arg5: memref<200x128xi32, #tpu.memory_space<vmem>>, %arg6: memref<4x128x64xf32, #tpu.memory_space<vmem>>, %arg7: memref<4x!tpu.dma_semaphore, #tpu.memory_space<semaphore_mem>>, %arg8: memref<4x!tpu.dma_semaphore, #tpu.memory_space<semaphore_mem>>) attributes {dimension_semantics = [#tpu.dimension_semantics<core_parallel>, #tpu.dimension_semantics<subcore_parallel>], iteration_bounds = array<i64: 2, 16>, scalar_prefetch = 0 : i64, scratch_operands = 4 : i64, tpu.core_type = #tpu.core_type<sc_vector_subcore>, window_params = [{transform_indices = #map}, {transform_indices = #map1}, {transform_indices = #map1}]} {
    %mul3A = arith.constant 2 : i32
    %mul3A_0 = arith.muli %arg1, %mul3A : i32
    %add3A = arith.addi %mul3A_0, %arg0 : i32
    %mul3A_1 = arith.constant 25600 : i32
    %mul3A_2 = arith.muli %add3A, %mul3A_1 : i32
    "tpu.region"() ({
      %run_scoped3A = tpu.sem_alloc : memref<!tpu.dma_semaphore, #tpu.memory_space<semaphore_mem>>
      %dma_start3A_66 = arith.constant 0 : i32
      %dma_start3A_67 = arith.constant 0 : i32
      %dma_start3A_68 = tpu.memref_slice %arg2[%add3A, %dma_start3A_66, %dma_start3A_67] : memref<32x200x128xi32, #tpu.memory_space<hbm>> -> memref<1x200x128xi32, #tpu.memory_space<hbm>>
      %dma_start3A_69 = tpu.memref_squeeze %dma_start3A_68 : memref<1x200x128xi32, #tpu.memory_space<hbm>> -> memref<200x128xi32, #tpu.memory_space<hbm>>
      %dma_start3A_70 = arith.constant 0 : i32
      %dma_start3A_71 = arith.constant 0 : i32
      %dma_start3A_72 = tpu.memref_slice %arg2[%add3A, %dma_start3A_70, %dma_start3A_71] : memref<32x200x128xi32, #tpu.memory_space<hbm>> -> memref<1x200x128xi32, #tpu.memory_space<hbm>>
      %dma_start3A_73 = tpu.memref_squeeze %dma_start3A_72 : memref<1x200x128xi32, #tpu.memory_space<hbm>> -> memref<200x128xi32, #tpu.memory_space<hbm>>
      tpu.enqueue_dma source(%dma_start3A_73 : memref<200x128xi32, #tpu.memory_space<hbm>>) target(%arg5 : memref<200x128xi32, #tpu.memory_space<vmem>>) target_semaphore(%run_scoped3A : memref<!tpu.dma_semaphore, #tpu.memory_space<semaphore_mem>>)
      %dma_wait3A = arith.constant 0 : i32
      %dma_wait3A_74 = arith.constant 0 : i32
      %dma_wait3A_75 = tpu.memref_slice %arg2[%add3A, %dma_wait3A, %dma_wait3A_74] : memref<32x200x128xi32, #tpu.memory_space<hbm>> -> memref<1x200x128xi32, #tpu.memory_space<hbm>>
      %dma_wait3A_76 = tpu.memref_squeeze %dma_wait3A_75 : memref<1x200x128xi32, #tpu.memory_space<hbm>> -> memref<200x128xi32, #tpu.memory_space<hbm>>
      %dma_wait3A_77 = arith.constant 0 : i32
      %dma_wait3A_78 = arith.constant 0 : i32
      %dma_wait3A_79 = tpu.memref_slice %arg2[%add3A, %dma_wait3A_77, %dma_wait3A_78] : memref<32x200x128xi32, #tpu.memory_space<hbm>> -> memref<1x200x128xi32, #tpu.memory_space<hbm>>
      %dma_wait3A_80 = tpu.memref_squeeze %dma_wait3A_79 : memref<1x200x128xi32, #tpu.memory_space<hbm>> -> memref<200x128xi32, #tpu.memory_space<hbm>>
      tpu.wait_dma2 semaphore(%run_scoped3A : memref<!tpu.dma_semaphore, #tpu.memory_space<semaphore_mem>>) src(%dma_wait3A_80 : memref<200x128xi32, #tpu.memory_space<hbm>>) dst(%arg5 : memref<200x128xi32, #tpu.memory_space<vmem>>)
      tpu.yield
    }) : () -> ()
    %dma_start3A = arith.constant 0 : i32
    %dma_start3A_3 = arith.constant 0 : i32
    %dma_start3A_4 = arith.constant 0 : i32
    %dma_start3A_5 = arith.constant 0 : i32
    %dma_start3A_6 = arith.constant 0 : i32
    %dma_start3A_7 = tpu.memref_slice %arg6[%dma_start3A_3, %dma_start3A_5, %dma_start3A_6] : memref<4x128x64xf32, #tpu.memory_space<vmem>> -> memref<1x128x64xf32, #tpu.memory_space<vmem>>
    %dma_start3A_8 = tpu.memref_squeeze %dma_start3A_7 : memref<1x128x64xf32, #tpu.memory_space<vmem>> -> memref<128x64xf32, #tpu.memory_space<vmem>>
    %dma_start3A_9 = arith.constant 0 : i32
    %dma_start3A_10 = tpu.memref_slice %arg5[%dma_start3A, %dma_start3A_9] : memref<200x128xi32, #tpu.memory_space<vmem>> -> memref<1x128xi32, #tpu.memory_space<vmem>>
    %dma_start3A_11 = tpu.memref_squeeze %dma_start3A_10 : memref<1x128xi32, #tpu.memory_space<vmem>> -> memref<128xi32, #tpu.memory_space<vmem>>
    %dma_start3A_12 = arith.constant 0 : i32
    %dma_start3A_13 = arith.constant 0 : i32
    %dma_start3A_14 = tpu.memref_slice %arg3[%dma_start3A_12, %dma_start3A_13] : memref<1000000x64xf32, #tpu.memory_space<hbm>> -> memref<1000000x64xf32, #tpu.memory_space<hbm>>
    %dma_start3A_15 = tpu.memref_slice %arg7[%dma_start3A_4] : memref<4x!tpu.dma_semaphore, #tpu.memory_space<semaphore_mem>> -> memref<1x!tpu.dma_semaphore, #tpu.memory_space<semaphore_mem>>
    %dma_start3A_16 = tpu.memref_squeeze %dma_start3A_15 : memref<1x!tpu.dma_semaphore, #tpu.memory_space<semaphore_mem>> -> memref<!tpu.dma_semaphore, #tpu.memory_space<semaphore_mem>>
    tpu.enqueue_indirect_dma source(%dma_start3A_14 : memref<1000000x64xf32, #tpu.memory_space<hbm>>) target(%dma_start3A_8 : memref<128x64xf32, #tpu.memory_space<vmem>>) offsets(%dma_start3A_11 : memref<128xi32, #tpu.memory_space<vmem>>) semaphore(%dma_start3A_16 : memref<!tpu.dma_semaphore, #tpu.memory_space<semaphore_mem>>)
    %dma_start3A_17 = arith.constant 1 : i32
    %dma_start3A_18 = arith.constant 1 : i32
    %dma_start3A_19 = arith.constant 1 : i32
    %dma_start3A_20 = arith.constant 0 : i32
    %dma_start3A_21 = arith.constant 0 : i32
    %dma_start3A_22 = tpu.memref_slice %arg6[%dma_start3A_18, %dma_start3A_20, %dma_start3A_21] : memref<4x128x64xf32, #tpu.memory_space<vmem>> -> memref<1x128x64xf32, #tpu.memory_space<vmem>>
    %dma_start3A_23 = tpu.memref_squeeze %dma_start3A_22 : memref<1x128x64xf32, #tpu.memory_space<vmem>> -> memref<128x64xf32, #tpu.memory_space<vmem>>
    %dma_start3A_24 = arith.constant 0 : i32
    %dma_start3A_25 = tpu.memref_slice %arg5[%dma_start3A_17, %dma_start3A_24] : memref<200x128xi32, #tpu.memory_space<vmem>> -> memref<1x128xi32, #tpu.memory_space<vmem>>
    %dma_start3A_26 = tpu.memref_squeeze %dma_start3A_25 : memref<1x128xi32, #tpu.memory_space<vmem>> -> memref<128xi32, #tpu.memory_space<vmem>>
    %dma_start3A_27 = arith.constant 0 : i32
    %dma_start3A_28 = arith.constant 0 : i32
    %dma_start3A_29 = tpu.memref_slice %arg3[%dma_start3A_27, %dma_start3A_28] : memref<1000000x64xf32, #tpu.memory_space<hbm>> -> memref<1000000x64xf32, #tpu.memory_space<hbm>>
    %dma_start3A_30 = tpu.memref_slice %arg7[%dma_start3A_19] : memref<4x!tpu.dma_semaphore, #tpu.memory_space<semaphore_mem>> -> memref<1x!tpu.dma_semaphore, #tpu.memory_space<semaphore_mem>>
    %dma_start3A_31 = tpu.memref_squeeze %dma_start3A_30 : memref<1x!tpu.dma_semaphore, #tpu.memory_space<semaphore_mem>> -> memref<!tpu.dma_semaphore, #tpu.memory_space<semaphore_mem>>
    tpu.enqueue_indirect_dma source(%dma_start3A_29 : memref<1000000x64xf32, #tpu.memory_space<hbm>>) target(%dma_start3A_23 : memref<128x64xf32, #tpu.memory_space<vmem>>) offsets(%dma_start3A_26 : memref<128xi32, #tpu.memory_space<vmem>>) semaphore(%dma_start3A_31 : memref<!tpu.dma_semaphore, #tpu.memory_space<semaphore_mem>>)
    %dma_start3A_32 = arith.constant 2 : i32
    %dma_start3A_33 = arith.constant 2 : i32
    %dma_start3A_34 = arith.constant 2 : i32
    %dma_start3A_35 = arith.constant 0 : i32
    %dma_start3A_36 = arith.constant 0 : i32
    %dma_start3A_37 = tpu.memref_slice %arg6[%dma_start3A_33, %dma_start3A_35, %dma_start3A_36] : memref<4x128x64xf32, #tpu.memory_space<vmem>> -> memref<1x128x64xf32, #tpu.memory_space<vmem>>
    %dma_start3A_38 = tpu.memref_squeeze %dma_start3A_37 : memref<1x128x64xf32, #tpu.memory_space<vmem>> -> memref<128x64xf32, #tpu.memory_space<vmem>>
    %dma_start3A_39 = arith.constant 0 : i32
    %dma_start3A_40 = tpu.memref_slice %arg5[%dma_start3A_32, %dma_start3A_39] : memref<200x128xi32, #tpu.memory_space<vmem>> -> memref<1x128xi32, #tpu.memory_space<vmem>>
    %dma_start3A_41 = tpu.memref_squeeze %dma_start3A_40 : memref<1x128xi32, #tpu.memory_space<vmem>> -> memref<128xi32, #tpu.memory_space<vmem>>
    %dma_start3A_42 = arith.constant 0 : i32
    %dma_start3A_43 = arith.constant 0 : i32
    %dma_start3A_44 = tpu.memref_slice %arg3[%dma_start3A_42, %dma_start3A_43] : memref<1000000x64xf32, #tpu.memory_space<hbm>> -> memref<1000000x64xf32, #tpu.memory_space<hbm>>
    %dma_start3A_45 = tpu.memref_slice %arg7[%dma_start3A_34] : memref<4x!tpu.dma_semaphore, #tpu.memory_space<semaphore_mem>> -> memref<1x!tpu.dma_semaphore, #tpu.memory_space<semaphore_mem>>
    %dma_start3A_46 = tpu.memref_squeeze %dma_start3A_45 : memref<1x!tpu.dma_semaphore, #tpu.memory_space<semaphore_mem>> -> memref<!tpu.dma_semaphore, #tpu.memory_space<semaphore_mem>>
    tpu.enqueue_indirect_dma source(%dma_start3A_44 : memref<1000000x64xf32, #tpu.memory_space<hbm>>) target(%dma_start3A_38 : memref<128x64xf32, #tpu.memory_space<vmem>>) offsets(%dma_start3A_41 : memref<128xi32, #tpu.memory_space<vmem>>) semaphore(%dma_start3A_46 : memref<!tpu.dma_semaphore, #tpu.memory_space<semaphore_mem>>)
    %dma_start3A_47 = arith.constant 3 : i32
    %dma_start3A_48 = arith.constant 3 : i32
    %dma_start3A_49 = arith.constant 3 : i32
    %dma_start3A_50 = arith.constant 0 : i32
    %dma_start3A_51 = arith.constant 0 : i32
    %dma_start3A_52 = tpu.memref_slice %arg6[%dma_start3A_48, %dma_start3A_50, %dma_start3A_51] : memref<4x128x64xf32, #tpu.memory_space<vmem>> -> memref<1x128x64xf32, #tpu.memory_space<vmem>>
    %dma_start3A_53 = tpu.memref_squeeze %dma_start3A_52 : memref<1x128x64xf32, #tpu.memory_space<vmem>> -> memref<128x64xf32, #tpu.memory_space<vmem>>
    %dma_start3A_54 = arith.constant 0 : i32
    %dma_start3A_55 = tpu.memref_slice %arg5[%dma_start3A_47, %dma_start3A_54] : memref<200x128xi32, #tpu.memory_space<vmem>> -> memref<1x128xi32, #tpu.memory_space<vmem>>
    %dma_start3A_56 = tpu.memref_squeeze %dma_start3A_55 : memref<1x128xi32, #tpu.memory_space<vmem>> -> memref<128xi32, #tpu.memory_space<vmem>>
    %dma_start3A_57 = arith.constant 0 : i32
    %dma_start3A_58 = arith.constant 0 : i32
    %dma_start3A_59 = tpu.memref_slice %arg3[%dma_start3A_57, %dma_start3A_58] : memref<1000000x64xf32, #tpu.memory_space<hbm>> -> memref<1000000x64xf32, #tpu.memory_space<hbm>>
    %dma_start3A_60 = tpu.memref_slice %arg7[%dma_start3A_49] : memref<4x!tpu.dma_semaphore, #tpu.memory_space<semaphore_mem>> -> memref<1x!tpu.dma_semaphore, #tpu.memory_space<semaphore_mem>>
    %dma_start3A_61 = tpu.memref_squeeze %dma_start3A_60 : memref<1x!tpu.dma_semaphore, #tpu.memory_space<semaphore_mem>> -> memref<!tpu.dma_semaphore, #tpu.memory_space<semaphore_mem>>
    tpu.enqueue_indirect_dma source(%dma_start3A_59 : memref<1000000x64xf32, #tpu.memory_space<hbm>>) target(%dma_start3A_53 : memref<128x64xf32, #tpu.memory_space<vmem>>) offsets(%dma_start3A_56 : memref<128xi32, #tpu.memory_space<vmem>>) semaphore(%dma_start3A_61 : memref<!tpu.dma_semaphore, #tpu.memory_space<semaphore_mem>>)
    %scan3A = arith.constant 0 : i32
    %scan3A_62 = arith.constant 50 : i32
    %scan3A_63 = arith.addi %scan3A, %scan3A_62 : i32
    %scan3A_64 = arith.constant 1 : i32
    scf.for %scan3A_66 = %scan3A to %scan3A_63 step %scan3A_64  : i32 {
      %mul3A_67 = arith.constant 4 : i32
      %mul3A_68 = arith.muli %scan3A_66, %mul3A_67 : i32
      %add3A_69 = arith.constant 0 : i32
      %add3A_70 = arith.addi %add3A_69, %mul3A_68 : i32
      %add3A_71 = arith.constant 0 : i32
      %add3A_72 = arith.addi %add3A_70, %add3A_71 : i32
      %dma_wait3A = arith.constant 0 : i32
      %dma_wait3A_73 = arith.constant 0 : i32
      %dma_wait3A_74 = arith.constant 0 : i32
      %dma_wait3A_75 = arith.constant 0 : i32
      %dma_wait3A_76 = arith.constant 0 : i32
      %dma_wait3A_77 = tpu.memref_slice %arg6[%dma_wait3A_73, %dma_wait3A_75, %dma_wait3A_76] : memref<4x128x64xf32, #tpu.memory_space<vmem>> -> memref<1x128x64xf32, #tpu.memory_space<vmem>>
      %dma_wait3A_78 = tpu.memref_squeeze %dma_wait3A_77 : memref<1x128x64xf32, #tpu.memory_space<vmem>> -> memref<128x64xf32, #tpu.memory_space<vmem>>
      %dma_wait3A_79 = arith.constant 0 : i32
      %dma_wait3A_80 = tpu.memref_slice %arg5[%dma_wait3A, %dma_wait3A_79] : memref<200x128xi32, #tpu.memory_space<vmem>> -> memref<1x128xi32, #tpu.memory_space<vmem>>
      %dma_wait3A_81 = tpu.memref_squeeze %dma_wait3A_80 : memref<1x128xi32, #tpu.memory_space<vmem>> -> memref<128xi32, #tpu.memory_space<vmem>>
      %dma_wait3A_82 = arith.constant 0 : i32
      %dma_wait3A_83 = arith.constant 0 : i32
      %dma_wait3A_84 = tpu.memref_slice %arg3[%dma_wait3A_82, %dma_wait3A_83] : memref<1000000x64xf32, #tpu.memory_space<hbm>> -> memref<1000000x64xf32, #tpu.memory_space<hbm>>
      %dma_wait3A_85 = tpu.memref_slice %arg7[%dma_wait3A_74] : memref<4x!tpu.dma_semaphore, #tpu.memory_space<semaphore_mem>> -> memref<1x!tpu.dma_semaphore, #tpu.memory_space<semaphore_mem>>
      %dma_wait3A_86 = tpu.memref_squeeze %dma_wait3A_85 : memref<1x!tpu.dma_semaphore, #tpu.memory_space<semaphore_mem>> -> memref<!tpu.dma_semaphore, #tpu.memory_space<semaphore_mem>>
      tpu.wait_indirect_dma semaphore(%dma_wait3A_86 : memref<!tpu.dma_semaphore, #tpu.memory_space<semaphore_mem>>) src(%dma_wait3A_84 : memref<1000000x64xf32, #tpu.memory_space<hbm>>) dst(%dma_wait3A_78 : memref<128x64xf32, #tpu.memory_space<vmem>>)
      %mul3A_87 = arith.constant 128 : i32
      %mul3A_88 = arith.muli %add3A_72, %mul3A_87 : i32
      %add3A_89 = arith.addi %mul3A_2, %mul3A_88 : i32
      %dma_start3A_90 = arith.constant 0 : i32
      %dma_start3A_91 = arith.constant 0 : i32
      %dma_start3A_92 = arith.constant 0 : i32
      %dma_start3A_93 = arith.constant 0 : i32
      %dma_start3A_94 = tpu.memref_slice %arg6[%dma_start3A_90, %dma_start3A_92, %dma_start3A_93] : memref<4x128x64xf32, #tpu.memory_space<vmem>> -> memref<1x128x64xf32, #tpu.memory_space<vmem>>
      %dma_start3A_95 = tpu.memref_squeeze %dma_start3A_94 : memref<1x128x64xf32, #tpu.memory_space<vmem>> -> memref<128x64xf32, #tpu.memory_space<vmem>>
      %dma_start3A_96 = arith.constant 0 : i32
      %dma_start3A_97 = tpu.memref_slice %arg4[%add3A_89, %dma_start3A_96] : memref<819200x64xf32, #tpu.memory_space<hbm>> -> memref<128x64xf32, #tpu.memory_space<hbm>>
      %dma_start3A_98 = tpu.memref_slice %arg8[%dma_start3A_91] : memref<4x!tpu.dma_semaphore, #tpu.memory_space<semaphore_mem>> -> memref<1x!tpu.dma_semaphore, #tpu.memory_space<semaphore_mem>>
      %dma_start3A_99 = tpu.memref_squeeze %dma_start3A_98 : memref<1x!tpu.dma_semaphore, #tpu.memory_space<semaphore_mem>> -> memref<!tpu.dma_semaphore, #tpu.memory_space<semaphore_mem>>
      %dma_start3A_100 = arith.constant 0 : i32
      %dma_start3A_101 = tpu.memref_slice %arg4[%add3A_89, %dma_start3A_100] : memref<819200x64xf32, #tpu.memory_space<hbm>> -> memref<128x64xf32, #tpu.memory_space<hbm>>
      %dma_start3A_102 = arith.constant 0 : i32
      %dma_start3A_103 = arith.constant 0 : i32
      %dma_start3A_104 = tpu.memref_slice %arg6[%dma_start3A_90, %dma_start3A_102, %dma_start3A_103] : memref<4x128x64xf32, #tpu.memory_space<vmem>> -> memref<1x128x64xf32, #tpu.memory_space<vmem>>
      %dma_start3A_105 = tpu.memref_squeeze %dma_start3A_104 : memref<1x128x64xf32, #tpu.memory_space<vmem>> -> memref<128x64xf32, #tpu.memory_space<vmem>>
      tpu.enqueue_dma source(%dma_start3A_105 : memref<128x64xf32, #tpu.memory_space<vmem>>) target(%dma_start3A_101 : memref<128x64xf32, #tpu.memory_space<hbm>>) target_semaphore(%dma_start3A_99 : memref<!tpu.dma_semaphore, #tpu.memory_space<semaphore_mem>>)
      %add3A_106 = arith.constant 1 : i32
      %add3A_107 = arith.addi %add3A_70, %add3A_106 : i32
      %dma_wait3A_108 = arith.constant 1 : i32
      %dma_wait3A_109 = arith.constant 1 : i32
      %dma_wait3A_110 = arith.constant 1 : i32
      %dma_wait3A_111 = arith.constant 0 : i32
      %dma_wait3A_112 = arith.constant 0 : i32
      %dma_wait3A_113 = tpu.memref_slice %arg6[%dma_wait3A_109, %dma_wait3A_111, %dma_wait3A_112] : memref<4x128x64xf32, #tpu.memory_space<vmem>> -> memref<1x128x64xf32, #tpu.memory_space<vmem>>
      %dma_wait3A_114 = tpu.memref_squeeze %dma_wait3A_113 : memref<1x128x64xf32, #tpu.memory_space<vmem>> -> memref<128x64xf32, #tpu.memory_space<vmem>>
      %dma_wait3A_115 = arith.constant 0 : i32
      %dma_wait3A_116 = tpu.memref_slice %arg5[%dma_wait3A_108, %dma_wait3A_115] : memref<200x128xi32, #tpu.memory_space<vmem>> -> memref<1x128xi32, #tpu.memory_space<vmem>>
      %dma_wait3A_117 = tpu.memref_squeeze %dma_wait3A_116 : memref<1x128xi32, #tpu.memory_space<vmem>> -> memref<128xi32, #tpu.memory_space<vmem>>
      %dma_wait3A_118 = arith.constant 0 : i32
      %dma_wait3A_119 = arith.constant 0 : i32
      %dma_wait3A_120 = tpu.memref_slice %arg3[%dma_wait3A_118, %dma_wait3A_119] : memref<1000000x64xf32, #tpu.memory_space<hbm>> -> memref<1000000x64xf32, #tpu.memory_space<hbm>>
      %dma_wait3A_121 = tpu.memref_slice %arg7[%dma_wait3A_110] : memref<4x!tpu.dma_semaphore, #tpu.memory_space<semaphore_mem>> -> memref<1x!tpu.dma_semaphore, #tpu.memory_space<semaphore_mem>>
      %dma_wait3A_122 = tpu.memref_squeeze %dma_wait3A_121 : memref<1x!tpu.dma_semaphore, #tpu.memory_space<semaphore_mem>> -> memref<!tpu.dma_semaphore, #tpu.memory_space<semaphore_mem>>
      tpu.wait_indirect_dma semaphore(%dma_wait3A_122 : memref<!tpu.dma_semaphore, #tpu.memory_space<semaphore_mem>>) src(%dma_wait3A_120 : memref<1000000x64xf32, #tpu.memory_space<hbm>>) dst(%dma_wait3A_114 : memref<128x64xf32, #tpu.memory_space<vmem>>)
      %mul3A_123 = arith.constant 128 : i32
      %mul3A_124 = arith.muli %add3A_107, %mul3A_123 : i32
      %add3A_125 = arith.addi %mul3A_2, %mul3A_124 : i32
      %dma_start3A_126 = arith.constant 1 : i32
      %dma_start3A_127 = arith.constant 1 : i32
      %dma_start3A_128 = arith.constant 0 : i32
      %dma_start3A_129 = arith.constant 0 : i32
      %dma_start3A_130 = tpu.memref_slice %arg6[%dma_start3A_126, %dma_start3A_128, %dma_start3A_129] : memref<4x128x64xf32, #tpu.memory_space<vmem>> -> memref<1x128x64xf32, #tpu.memory_space<vmem>>
      %dma_start3A_131 = tpu.memref_squeeze %dma_start3A_130 : memref<1x128x64xf32, #tpu.memory_space<vmem>> -> memref<128x64xf32, #tpu.memory_space<vmem>>
      %dma_start3A_132 = arith.constant 0 : i32
      %dma_start3A_133 = tpu.memref_slice %arg4[%add3A_125, %dma_start3A_132] : memref<819200x64xf32, #tpu.memory_space<hbm>> -> memref<128x64xf32, #tpu.memory_space<hbm>>
      %dma_start3A_134 = tpu.memref_slice %arg8[%dma_start3A_127] : memref<4x!tpu.dma_semaphore, #tpu.memory_space<semaphore_mem>> -> memref<1x!tpu.dma_semaphore, #tpu.memory_space<semaphore_mem>>
      %dma_start3A_135 = tpu.memref_squeeze %dma_start3A_134 : memref<1x!tpu.dma_semaphore, #tpu.memory_space<semaphore_mem>> -> memref<!tpu.dma_semaphore, #tpu.memory_space<semaphore_mem>>
      %dma_start3A_136 = arith.constant 0 : i32
      %dma_start3A_137 = tpu.memref_slice %arg4[%add3A_125, %dma_start3A_136] : memref<819200x64xf32, #tpu.memory_space<hbm>> -> memref<128x64xf32, #tpu.memory_space<hbm>>
      %dma_start3A_138 = arith.constant 0 : i32
      %dma_start3A_139 = arith.constant 0 : i32
      %dma_start3A_140 = tpu.memref_slice %arg6[%dma_start3A_126, %dma_start3A_138, %dma_start3A_139] : memref<4x128x64xf32, #tpu.memory_space<vmem>> -> memref<1x128x64xf32, #tpu.memory_space<vmem>>
      %dma_start3A_141 = tpu.memref_squeeze %dma_start3A_140 : memref<1x128x64xf32, #tpu.memory_space<vmem>> -> memref<128x64xf32, #tpu.memory_space<vmem>>
      tpu.enqueue_dma source(%dma_start3A_141 : memref<128x64xf32, #tpu.memory_space<vmem>>) target(%dma_start3A_137 : memref<128x64xf32, #tpu.memory_space<hbm>>) target_semaphore(%dma_start3A_135 : memref<!tpu.dma_semaphore, #tpu.memory_space<semaphore_mem>>)
      %add3A_142 = arith.constant 2 : i32
      %add3A_143 = arith.addi %add3A_70, %add3A_142 : i32
      %dma_wait3A_144 = arith.constant 2 : i32
      %dma_wait3A_145 = arith.constant 2 : i32
      %dma_wait3A_146 = arith.constant 2 : i32
      %dma_wait3A_147 = arith.constant 0 : i32
      %dma_wait3A_148 = arith.constant 0 : i32
      %dma_wait3A_149 = tpu.memref_slice %arg6[%dma_wait3A_145, %dma_wait3A_147, %dma_wait3A_148] : memref<4x128x64xf32, #tpu.memory_space<vmem>> -> memref<1x128x64xf32, #tpu.memory_space<vmem>>
      %dma_wait3A_150 = tpu.memref_squeeze %dma_wait3A_149 : memref<1x128x64xf32, #tpu.memory_space<vmem>> -> memref<128x64xf32, #tpu.memory_space<vmem>>
      %dma_wait3A_151 = arith.constant 0 : i32
      %dma_wait3A_152 = tpu.memref_slice %arg5[%dma_wait3A_144, %dma_wait3A_151] : memref<200x128xi32, #tpu.memory_space<vmem>> -> memref<1x128xi32, #tpu.memory_space<vmem>>
      %dma_wait3A_153 = tpu.memref_squeeze %dma_wait3A_152 : memref<1x128xi32, #tpu.memory_space<vmem>> -> memref<128xi32, #tpu.memory_space<vmem>>
      %dma_wait3A_154 = arith.constant 0 : i32
      %dma_wait3A_155 = arith.constant 0 : i32
      %dma_wait3A_156 = tpu.memref_slice %arg3[%dma_wait3A_154, %dma_wait3A_155] : memref<1000000x64xf32, #tpu.memory_space<hbm>> -> memref<1000000x64xf32, #tpu.memory_space<hbm>>
      %dma_wait3A_157 = tpu.memref_slice %arg7[%dma_wait3A_146] : memref<4x!tpu.dma_semaphore, #tpu.memory_space<semaphore_mem>> -> memref<1x!tpu.dma_semaphore, #tpu.memory_space<semaphore_mem>>
      %dma_wait3A_158 = tpu.memref_squeeze %dma_wait3A_157 : memref<1x!tpu.dma_semaphore, #tpu.memory_space<semaphore_mem>> -> memref<!tpu.dma_semaphore, #tpu.memory_space<semaphore_mem>>
      tpu.wait_indirect_dma semaphore(%dma_wait3A_158 : memref<!tpu.dma_semaphore, #tpu.memory_space<semaphore_mem>>) src(%dma_wait3A_156 : memref<1000000x64xf32, #tpu.memory_space<hbm>>) dst(%dma_wait3A_150 : memref<128x64xf32, #tpu.memory_space<vmem>>)
      %mul3A_159 = arith.constant 128 : i32
      %mul3A_160 = arith.muli %add3A_143, %mul3A_159 : i32
      %add3A_161 = arith.addi %mul3A_2, %mul3A_160 : i32
      %dma_start3A_162 = arith.constant 2 : i32
      %dma_start3A_163 = arith.constant 2 : i32
      %dma_start3A_164 = arith.constant 0 : i32
      %dma_start3A_165 = arith.constant 0 : i32
      %dma_start3A_166 = tpu.memref_slice %arg6[%dma_start3A_162, %dma_start3A_164, %dma_start3A_165] : memref<4x128x64xf32, #tpu.memory_space<vmem>> -> memref<1x128x64xf32, #tpu.memory_space<vmem>>
      %dma_start3A_167 = tpu.memref_squeeze %dma_start3A_166 : memref<1x128x64xf32, #tpu.memory_space<vmem>> -> memref<128x64xf32, #tpu.memory_space<vmem>>
      %dma_start3A_168 = arith.constant 0 : i32
      %dma_start3A_169 = tpu.memref_slice %arg4[%add3A_161, %dma_start3A_168] : memref<819200x64xf32, #tpu.memory_space<hbm>> -> memref<128x64xf32, #tpu.memory_space<hbm>>
      %dma_start3A_170 = tpu.memref_slice %arg8[%dma_start3A_163] : memref<4x!tpu.dma_semaphore, #tpu.memory_space<semaphore_mem>> -> memref<1x!tpu.dma_semaphore, #tpu.memory_space<semaphore_mem>>
      %dma_start3A_171 = tpu.memref_squeeze %dma_start3A_170 : memref<1x!tpu.dma_semaphore, #tpu.memory_space<semaphore_mem>> -> memref<!tpu.dma_semaphore, #tpu.memory_space<semaphore_mem>>
      %dma_start3A_172 = arith.constant 0 : i32
      %dma_start3A_173 = tpu.memref_slice %arg4[%add3A_161, %dma_start3A_172] : memref<819200x64xf32, #tpu.memory_space<hbm>> -> memref<128x64xf32, #tpu.memory_space<hbm>>
      %dma_start3A_174 = arith.constant 0 : i32
      %dma_start3A_175 = arith.constant 0 : i32
      %dma_start3A_176 = tpu.memref_slice %arg6[%dma_start3A_162, %dma_start3A_174, %dma_start3A_175] : memref<4x128x64xf32, #tpu.memory_space<vmem>> -> memref<1x128x64xf32, #tpu.memory_space<vmem>>
      %dma_start3A_177 = tpu.memref_squeeze %dma_start3A_176 : memref<1x128x64xf32, #tpu.memory_space<vmem>> -> memref<128x64xf32, #tpu.memory_space<vmem>>
      tpu.enqueue_dma source(%dma_start3A_177 : memref<128x64xf32, #tpu.memory_space<vmem>>) target(%dma_start3A_173 : memref<128x64xf32, #tpu.memory_space<hbm>>) target_semaphore(%dma_start3A_171 : memref<!tpu.dma_semaphore, #tpu.memory_space<semaphore_mem>>)
      %add3A_178 = arith.constant 3 : i32
      %add3A_179 = arith.addi %add3A_70, %add3A_178 : i32
      %dma_wait3A_180 = arith.constant 3 : i32
      %dma_wait3A_181 = arith.constant 3 : i32
      %dma_wait3A_182 = arith.constant 3 : i32
      %dma_wait3A_183 = arith.constant 0 : i32
      %dma_wait3A_184 = arith.constant 0 : i32
      %dma_wait3A_185 = tpu.memref_slice %arg6[%dma_wait3A_181, %dma_wait3A_183, %dma_wait3A_184] : memref<4x128x64xf32, #tpu.memory_space<vmem>> -> memref<1x128x64xf32, #tpu.memory_space<vmem>>
      %dma_wait3A_186 = tpu.memref_squeeze %dma_wait3A_185 : memref<1x128x64xf32, #tpu.memory_space<vmem>> -> memref<128x64xf32, #tpu.memory_space<vmem>>
      %dma_wait3A_187 = arith.constant 0 : i32
      %dma_wait3A_188 = tpu.memref_slice %arg5[%dma_wait3A_180, %dma_wait3A_187] : memref<200x128xi32, #tpu.memory_space<vmem>> -> memref<1x128xi32, #tpu.memory_space<vmem>>
      %dma_wait3A_189 = tpu.memref_squeeze %dma_wait3A_188 : memref<1x128xi32, #tpu.memory_space<vmem>> -> memref<128xi32, #tpu.memory_space<vmem>>
      %dma_wait3A_190 = arith.constant 0 : i32
      %dma_wait3A_191 = arith.constant 0 : i32
      %dma_wait3A_192 = tpu.memref_slice %arg3[%dma_wait3A_190, %dma_wait3A_191] : memref<1000000x64xf32, #tpu.memory_space<hbm>> -> memref<1000000x64xf32, #tpu.memory_space<hbm>>
      %dma_wait3A_193 = tpu.memref_slice %arg7[%dma_wait3A_182] : memref<4x!tpu.dma_semaphore, #tpu.memory_space<semaphore_mem>> -> memref<1x!tpu.dma_semaphore, #tpu.memory_space<semaphore_mem>>
      %dma_wait3A_194 = tpu.memref_squeeze %dma_wait3A_193 : memref<1x!tpu.dma_semaphore, #tpu.memory_space<semaphore_mem>> -> memref<!tpu.dma_semaphore, #tpu.memory_space<semaphore_mem>>
      tpu.wait_indirect_dma semaphore(%dma_wait3A_194 : memref<!tpu.dma_semaphore, #tpu.memory_space<semaphore_mem>>) src(%dma_wait3A_192 : memref<1000000x64xf32, #tpu.memory_space<hbm>>) dst(%dma_wait3A_186 : memref<128x64xf32, #tpu.memory_space<vmem>>)
      %mul3A_195 = arith.constant 128 : i32
      %mul3A_196 = arith.muli %add3A_179, %mul3A_195 : i32
      %add3A_197 = arith.addi %mul3A_2, %mul3A_196 : i32
      %dma_start3A_198 = arith.constant 3 : i32
      %dma_start3A_199 = arith.constant 3 : i32
      %dma_start3A_200 = arith.constant 0 : i32
      %dma_start3A_201 = arith.constant 0 : i32
      %dma_start3A_202 = tpu.memref_slice %arg6[%dma_start3A_198, %dma_start3A_200, %dma_start3A_201] : memref<4x128x64xf32, #tpu.memory_space<vmem>> -> memref<1x128x64xf32, #tpu.memory_space<vmem>>
      %dma_start3A_203 = tpu.memref_squeeze %dma_start3A_202 : memref<1x128x64xf32, #tpu.memory_space<vmem>> -> memref<128x64xf32, #tpu.memory_space<vmem>>
      %dma_start3A_204 = arith.constant 0 : i32
      %dma_start3A_205 = tpu.memref_slice %arg4[%add3A_197, %dma_start3A_204] : memref<819200x64xf32, #tpu.memory_space<hbm>> -> memref<128x64xf32, #tpu.memory_space<hbm>>
      %dma_start3A_206 = tpu.memref_slice %arg8[%dma_start3A_199] : memref<4x!tpu.dma_semaphore, #tpu.memory_space<semaphore_mem>> -> memref<1x!tpu.dma_semaphore, #tpu.memory_space<semaphore_mem>>
      %dma_start3A_207 = tpu.memref_squeeze %dma_start3A_206 : memref<1x!tpu.dma_semaphore, #tpu.memory_space<semaphore_mem>> -> memref<!tpu.dma_semaphore, #tpu.memory_space<semaphore_mem>>
      %dma_start3A_208 = arith.constant 0 : i32
      %dma_start3A_209 = tpu.memref_slice %arg4[%add3A_197, %dma_start3A_208] : memref<819200x64xf32, #tpu.memory_space<hbm>> -> memref<128x64xf32, #tpu.memory_space<hbm>>
      %dma_start3A_210 = arith.constant 0 : i32
      %dma_start3A_211 = arith.constant 0 : i32
      %dma_start3A_212 = tpu.memref_slice %arg6[%dma_start3A_198, %dma_start3A_210, %dma_start3A_211] : memref<4x128x64xf32, #tpu.memory_space<vmem>> -> memref<1x128x64xf32, #tpu.memory_space<vmem>>
      %dma_start3A_213 = tpu.memref_squeeze %dma_start3A_212 : memref<1x128x64xf32, #tpu.memory_space<vmem>> -> memref<128x64xf32, #tpu.memory_space<vmem>>
      tpu.enqueue_dma source(%dma_start3A_213 : memref<128x64xf32, #tpu.memory_space<vmem>>) target(%dma_start3A_209 : memref<128x64xf32, #tpu.memory_space<hbm>>) target_semaphore(%dma_start3A_207 : memref<!tpu.dma_semaphore, #tpu.memory_space<semaphore_mem>>)
      %add3A_214 = arith.constant 0 : i32
      %add3A_215 = arith.addi %add3A_70, %add3A_214 : i32
      %add3A_216 = arith.constant 4 : i32
      %add3A_217 = arith.addi %add3A_215, %add3A_216 : i32
      %mul3A_218 = arith.constant 128 : i32
      %mul3A_219 = arith.muli %add3A_215, %mul3A_218 : i32
      %add3A_220 = arith.addi %mul3A_2, %mul3A_219 : i32
      %dma_wait3A_221 = arith.constant 0 : i32
      %dma_wait3A_222 = arith.constant 0 : i32
      %dma_wait3A_223 = arith.constant 0 : i32
      %dma_wait3A_224 = arith.constant 0 : i32
      %dma_wait3A_225 = tpu.memref_slice %arg6[%dma_wait3A_221, %dma_wait3A_223, %dma_wait3A_224] : memref<4x128x64xf32, #tpu.memory_space<vmem>> -> memref<1x128x64xf32, #tpu.memory_space<vmem>>
      %dma_wait3A_226 = tpu.memref_squeeze %dma_wait3A_225 : memref<1x128x64xf32, #tpu.memory_space<vmem>> -> memref<128x64xf32, #tpu.memory_space<vmem>>
      %dma_wait3A_227 = arith.constant 0 : i32
      %dma_wait3A_228 = tpu.memref_slice %arg4[%add3A_220, %dma_wait3A_227] : memref<819200x64xf32, #tpu.memory_space<hbm>> -> memref<128x64xf32, #tpu.memory_space<hbm>>
      %dma_wait3A_229 = tpu.memref_slice %arg8[%dma_wait3A_222] : memref<4x!tpu.dma_semaphore, #tpu.memory_space<semaphore_mem>> -> memref<1x!tpu.dma_semaphore, #tpu.memory_space<semaphore_mem>>
      %dma_wait3A_230 = tpu.memref_squeeze %dma_wait3A_229 : memref<1x!tpu.dma_semaphore, #tpu.memory_space<semaphore_mem>> -> memref<!tpu.dma_semaphore, #tpu.memory_space<semaphore_mem>>
      %dma_wait3A_231 = arith.constant 0 : i32
      %dma_wait3A_232 = tpu.memref_slice %arg4[%add3A_220, %dma_wait3A_231] : memref<819200x64xf32, #tpu.memory_space<hbm>> -> memref<128x64xf32, #tpu.memory_space<hbm>>
      %dma_wait3A_233 = arith.constant 0 : i32
      %dma_wait3A_234 = arith.constant 0 : i32
      %dma_wait3A_235 = tpu.memref_slice %arg6[%dma_wait3A_221, %dma_wait3A_233, %dma_wait3A_234] : memref<4x128x64xf32, #tpu.memory_space<vmem>> -> memref<1x128x64xf32, #tpu.memory_space<vmem>>
      %dma_wait3A_236 = tpu.memref_squeeze %dma_wait3A_235 : memref<1x128x64xf32, #tpu.memory_space<vmem>> -> memref<128x64xf32, #tpu.memory_space<vmem>>
      tpu.wait_dma2 semaphore(%dma_wait3A_230 : memref<!tpu.dma_semaphore, #tpu.memory_space<semaphore_mem>>) src(%dma_wait3A_236 : memref<128x64xf32, #tpu.memory_space<vmem>>) dst(%dma_wait3A_232 : memref<128x64xf32, #tpu.memory_space<hbm>>)
      %lt3A = arith.constant 200 : i32
      %lt3A_237 = arith.cmpi slt, %add3A_217, %lt3A : i32
      %convert_element_type3A = arith.extui %lt3A_237 : i1 to i32
      %cond3A = arith.constant 0 : i32
      %cond3A_238 = arith.cmpi ne, %convert_element_type3A, %cond3A : i32
      scf.if %cond3A_238 {
        %dma_start3A_323 = arith.constant 0 : i32
        %dma_start3A_324 = arith.constant 0 : i32
        %dma_start3A_325 = arith.constant 0 : i32
        %dma_start3A_326 = arith.constant 0 : i32
        %dma_start3A_327 = tpu.memref_slice %arg6[%dma_start3A_323, %dma_start3A_325, %dma_start3A_326] : memref<4x128x64xf32, #tpu.memory_space<vmem>> -> memref<1x128x64xf32, #tpu.memory_space<vmem>>
        %dma_start3A_328 = tpu.memref_squeeze %dma_start3A_327 : memref<1x128x64xf32, #tpu.memory_space<vmem>> -> memref<128x64xf32, #tpu.memory_space<vmem>>
        %dma_start3A_329 = arith.constant 0 : i32
        %dma_start3A_330 = tpu.memref_slice %arg5[%add3A_217, %dma_start3A_329] : memref<200x128xi32, #tpu.memory_space<vmem>> -> memref<1x128xi32, #tpu.memory_space<vmem>>
        %dma_start3A_331 = tpu.memref_squeeze %dma_start3A_330 : memref<1x128xi32, #tpu.memory_space<vmem>> -> memref<128xi32, #tpu.memory_space<vmem>>
        %dma_start3A_332 = arith.constant 0 : i32
        %dma_start3A_333 = arith.constant 0 : i32
        %dma_start3A_334 = tpu.memref_slice %arg3[%dma_start3A_332, %dma_start3A_333] : memref<1000000x64xf32, #tpu.memory_space<hbm>> -> memref<1000000x64xf32, #tpu.memory_space<hbm>>
        %dma_start3A_335 = tpu.memref_slice %arg7[%dma_start3A_324] : memref<4x!tpu.dma_semaphore, #tpu.memory_space<semaphore_mem>> -> memref<1x!tpu.dma_semaphore, #tpu.memory_space<semaphore_mem>>
        %dma_start3A_336 = tpu.memref_squeeze %dma_start3A_335 : memref<1x!tpu.dma_semaphore, #tpu.memory_space<semaphore_mem>> -> memref<!tpu.dma_semaphore, #tpu.memory_space<semaphore_mem>>
        tpu.enqueue_indirect_dma source(%dma_start3A_334 : memref<1000000x64xf32, #tpu.memory_space<hbm>>) target(%dma_start3A_328 : memref<128x64xf32, #tpu.memory_space<vmem>>) offsets(%dma_start3A_331 : memref<128xi32, #tpu.memory_space<vmem>>) semaphore(%dma_start3A_336 : memref<!tpu.dma_semaphore, #tpu.memory_space<semaphore_mem>>)
      } else {
      }
      %add3A_239 = arith.constant 1 : i32
      %add3A_240 = arith.addi %add3A_70, %add3A_239 : i32
      %add3A_241 = arith.constant 4 : i32
      %add3A_242 = arith.addi %add3A_240, %add3A_241 : i32
      %mul3A_243 = arith.constant 128 : i32
      %mul3A_244 = arith.muli %add3A_240, %mul3A_243 : i32
      %add3A_245 = arith.addi %mul3A_2, %mul3A_244 : i32
      %dma_wait3A_246 = arith.constant 1 : i32
      %dma_wait3A_247 = arith.constant 1 : i32
      %dma_wait3A_248 = arith.constant 0 : i32
      %dma_wait3A_249 = arith.constant 0 : i32
      %dma_wait3A_250 = tpu.memref_slice %arg6[%dma_wait3A_246, %dma_wait3A_248, %dma_wait3A_249] : memref<4x128x64xf32, #tpu.memory_space<vmem>> -> memref<1x128x64xf32, #tpu.memory_space<vmem>>
      %dma_wait3A_251 = tpu.memref_squeeze %dma_wait3A_250 : memref<1x128x64xf32, #tpu.memory_space<vmem>> -> memref<128x64xf32, #tpu.memory_space<vmem>>
      %dma_wait3A_252 = arith.constant 0 : i32
      %dma_wait3A_253 = tpu.memref_slice %arg4[%add3A_245, %dma_wait3A_252] : memref<819200x64xf32, #tpu.memory_space<hbm>> -> memref<128x64xf32, #tpu.memory_space<hbm>>
      %dma_wait3A_254 = tpu.memref_slice %arg8[%dma_wait3A_247] : memref<4x!tpu.dma_semaphore, #tpu.memory_space<semaphore_mem>> -> memref<1x!tpu.dma_semaphore, #tpu.memory_space<semaphore_mem>>
      %dma_wait3A_255 = tpu.memref_squeeze %dma_wait3A_254 : memref<1x!tpu.dma_semaphore, #tpu.memory_space<semaphore_mem>> -> memref<!tpu.dma_semaphore, #tpu.memory_space<semaphore_mem>>
      %dma_wait3A_256 = arith.constant 0 : i32
      %dma_wait3A_257 = tpu.memref_slice %arg4[%add3A_245, %dma_wait3A_256] : memref<819200x64xf32, #tpu.memory_space<hbm>> -> memref<128x64xf32, #tpu.memory_space<hbm>>
      %dma_wait3A_258 = arith.constant 0 : i32
      %dma_wait3A_259 = arith.constant 0 : i32
      %dma_wait3A_260 = tpu.memref_slice %arg6[%dma_wait3A_246, %dma_wait3A_258, %dma_wait3A_259] : memref<4x128x64xf32, #tpu.memory_space<vmem>> -> memref<1x128x64xf32, #tpu.memory_space<vmem>>
      %dma_wait3A_261 = tpu.memref_squeeze %dma_wait3A_260 : memref<1x128x64xf32, #tpu.memory_space<vmem>> -> memref<128x64xf32, #tpu.memory_space<vmem>>
      tpu.wait_dma2 semaphore(%dma_wait3A_255 : memref<!tpu.dma_semaphore, #tpu.memory_space<semaphore_mem>>) src(%dma_wait3A_261 : memref<128x64xf32, #tpu.memory_space<vmem>>) dst(%dma_wait3A_257 : memref<128x64xf32, #tpu.memory_space<hbm>>)
      %lt3A_262 = arith.constant 200 : i32
      %lt3A_263 = arith.cmpi slt, %add3A_242, %lt3A_262 : i32
      %convert_element_type3A_264 = arith.extui %lt3A_263 : i1 to i32
      %cond3A_265 = arith.constant 0 : i32
      %cond3A_266 = arith.cmpi ne, %convert_element_type3A_264, %cond3A_265 : i32
      scf.if %cond3A_266 {
        %dma_start3A_323 = arith.constant 1 : i32
        %dma_start3A_324 = arith.constant 1 : i32
        %dma_start3A_325 = arith.constant 0 : i32
        %dma_start3A_326 = arith.constant 0 : i32
        %dma_start3A_327 = tpu.memref_slice %arg6[%dma_start3A_323, %dma_start3A_325, %dma_start3A_326] : memref<4x128x64xf32, #tpu.memory_space<vmem>> -> memref<1x128x64xf32, #tpu.memory_space<vmem>>
        %dma_start3A_328 = tpu.memref_squeeze %dma_start3A_327 : memref<1x128x64xf32, #tpu.memory_space<vmem>> -> memref<128x64xf32, #tpu.memory_space<vmem>>
        %dma_start3A_329 = arith.constant 0 : i32
        %dma_start3A_330 = tpu.memref_slice %arg5[%add3A_242, %dma_start3A_329] : memref<200x128xi32, #tpu.memory_space<vmem>> -> memref<1x128xi32, #tpu.memory_space<vmem>>
        %dma_start3A_331 = tpu.memref_squeeze %dma_start3A_330 : memref<1x128xi32, #tpu.memory_space<vmem>> -> memref<128xi32, #tpu.memory_space<vmem>>
        %dma_start3A_332 = arith.constant 0 : i32
        %dma_start3A_333 = arith.constant 0 : i32
        %dma_start3A_334 = tpu.memref_slice %arg3[%dma_start3A_332, %dma_start3A_333] : memref<1000000x64xf32, #tpu.memory_space<hbm>> -> memref<1000000x64xf32, #tpu.memory_space<hbm>>
        %dma_start3A_335 = tpu.memref_slice %arg7[%dma_start3A_324] : memref<4x!tpu.dma_semaphore, #tpu.memory_space<semaphore_mem>> -> memref<1x!tpu.dma_semaphore, #tpu.memory_space<semaphore_mem>>
        %dma_start3A_336 = tpu.memref_squeeze %dma_start3A_335 : memref<1x!tpu.dma_semaphore, #tpu.memory_space<semaphore_mem>> -> memref<!tpu.dma_semaphore, #tpu.memory_space<semaphore_mem>>
        tpu.enqueue_indirect_dma source(%dma_start3A_334 : memref<1000000x64xf32, #tpu.memory_space<hbm>>) target(%dma_start3A_328 : memref<128x64xf32, #tpu.memory_space<vmem>>) offsets(%dma_start3A_331 : memref<128xi32, #tpu.memory_space<vmem>>) semaphore(%dma_start3A_336 : memref<!tpu.dma_semaphore, #tpu.memory_space<semaphore_mem>>)
      } else {
      }
      %add3A_267 = arith.constant 2 : i32
      %add3A_268 = arith.addi %add3A_70, %add3A_267 : i32
      %add3A_269 = arith.constant 4 : i32
      %add3A_270 = arith.addi %add3A_268, %add3A_269 : i32
      %mul3A_271 = arith.constant 128 : i32
      %mul3A_272 = arith.muli %add3A_268, %mul3A_271 : i32
      %add3A_273 = arith.addi %mul3A_2, %mul3A_272 : i32
      %dma_wait3A_274 = arith.constant 2 : i32
      %dma_wait3A_275 = arith.constant 2 : i32
      %dma_wait3A_276 = arith.constant 0 : i32
      %dma_wait3A_277 = arith.constant 0 : i32
      %dma_wait3A_278 = tpu.memref_slice %arg6[%dma_wait3A_274, %dma_wait3A_276, %dma_wait3A_277] : memref<4x128x64xf32, #tpu.memory_space<vmem>> -> memref<1x128x64xf32, #tpu.memory_space<vmem>>
      %dma_wait3A_279 = tpu.memref_squeeze %dma_wait3A_278 : memref<1x128x64xf32, #tpu.memory_space<vmem>> -> memref<128x64xf32, #tpu.memory_space<vmem>>
      %dma_wait3A_280 = arith.constant 0 : i32
      %dma_wait3A_281 = tpu.memref_slice %arg4[%add3A_273, %dma_wait3A_280] : memref<819200x64xf32, #tpu.memory_space<hbm>> -> memref<128x64xf32, #tpu.memory_space<hbm>>
      %dma_wait3A_282 = tpu.memref_slice %arg8[%dma_wait3A_275] : memref<4x!tpu.dma_semaphore, #tpu.memory_space<semaphore_mem>> -> memref<1x!tpu.dma_semaphore, #tpu.memory_space<semaphore_mem>>
      %dma_wait3A_283 = tpu.memref_squeeze %dma_wait3A_282 : memref<1x!tpu.dma_semaphore, #tpu.memory_space<semaphore_mem>> -> memref<!tpu.dma_semaphore, #tpu.memory_space<semaphore_mem>>
      %dma_wait3A_284 = arith.constant 0 : i32
      %dma_wait3A_285 = tpu.memref_slice %arg4[%add3A_273, %dma_wait3A_284] : memref<819200x64xf32, #tpu.memory_space<hbm>> -> memref<128x64xf32, #tpu.memory_space<hbm>>
      %dma_wait3A_286 = arith.constant 0 : i32
      %dma_wait3A_287 = arith.constant 0 : i32
      %dma_wait3A_288 = tpu.memref_slice %arg6[%dma_wait3A_274, %dma_wait3A_286, %dma_wait3A_287] : memref<4x128x64xf32, #tpu.memory_space<vmem>> -> memref<1x128x64xf32, #tpu.memory_space<vmem>>
      %dma_wait3A_289 = tpu.memref_squeeze %dma_wait3A_288 : memref<1x128x64xf32, #tpu.memory_space<vmem>> -> memref<128x64xf32, #tpu.memory_space<vmem>>
      tpu.wait_dma2 semaphore(%dma_wait3A_283 : memref<!tpu.dma_semaphore, #tpu.memory_space<semaphore_mem>>) src(%dma_wait3A_289 : memref<128x64xf32, #tpu.memory_space<vmem>>) dst(%dma_wait3A_285 : memref<128x64xf32, #tpu.memory_space<hbm>>)
      %lt3A_290 = arith.constant 200 : i32
      %lt3A_291 = arith.cmpi slt, %add3A_270, %lt3A_290 : i32
      %convert_element_type3A_292 = arith.extui %lt3A_291 : i1 to i32
      %cond3A_293 = arith.constant 0 : i32
      %cond3A_294 = arith.cmpi ne, %convert_element_type3A_292, %cond3A_293 : i32
      scf.if %cond3A_294 {
        %dma_start3A_323 = arith.constant 2 : i32
        %dma_start3A_324 = arith.constant 2 : i32
        %dma_start3A_325 = arith.constant 0 : i32
        %dma_start3A_326 = arith.constant 0 : i32
        %dma_start3A_327 = tpu.memref_slice %arg6[%dma_start3A_323, %dma_start3A_325, %dma_start3A_326] : memref<4x128x64xf32, #tpu.memory_space<vmem>> -> memref<1x128x64xf32, #tpu.memory_space<vmem>>
        %dma_start3A_328 = tpu.memref_squeeze %dma_start3A_327 : memref<1x128x64xf32, #tpu.memory_space<vmem>> -> memref<128x64xf32, #tpu.memory_space<vmem>>
        %dma_start3A_329 = arith.constant 0 : i32
        %dma_start3A_330 = tpu.memref_slice %arg5[%add3A_270, %dma_start3A_329] : memref<200x128xi32, #tpu.memory_space<vmem>> -> memref<1x128xi32, #tpu.memory_space<vmem>>
        %dma_start3A_331 = tpu.memref_squeeze %dma_start3A_330 : memref<1x128xi32, #tpu.memory_space<vmem>> -> memref<128xi32, #tpu.memory_space<vmem>>
        %dma_start3A_332 = arith.constant 0 : i32
        %dma_start3A_333 = arith.constant 0 : i32
        %dma_start3A_334 = tpu.memref_slice %arg3[%dma_start3A_332, %dma_start3A_333] : memref<1000000x64xf32, #tpu.memory_space<hbm>> -> memref<1000000x64xf32, #tpu.memory_space<hbm>>
        %dma_start3A_335 = tpu.memref_slice %arg7[%dma_start3A_324] : memref<4x!tpu.dma_semaphore, #tpu.memory_space<semaphore_mem>> -> memref<1x!tpu.dma_semaphore, #tpu.memory_space<semaphore_mem>>
        %dma_start3A_336 = tpu.memref_squeeze %dma_start3A_335 : memref<1x!tpu.dma_semaphore, #tpu.memory_space<semaphore_mem>> -> memref<!tpu.dma_semaphore, #tpu.memory_space<semaphore_mem>>
        tpu.enqueue_indirect_dma source(%dma_start3A_334 : memref<1000000x64xf32, #tpu.memory_space<hbm>>) target(%dma_start3A_328 : memref<128x64xf32, #tpu.memory_space<vmem>>) offsets(%dma_start3A_331 : memref<128xi32, #tpu.memory_space<vmem>>) semaphore(%dma_start3A_336 : memref<!tpu.dma_semaphore, #tpu.memory_space<semaphore_mem>>)
      } else {
      }
      %add3A_295 = arith.constant 3 : i32
      %add3A_296 = arith.addi %add3A_70, %add3A_295 : i32
      %add3A_297 = arith.constant 4 : i32
      %add3A_298 = arith.addi %add3A_296, %add3A_297 : i32
      %mul3A_299 = arith.constant 128 : i32
      %mul3A_300 = arith.muli %add3A_296, %mul3A_299 : i32
      %add3A_301 = arith.addi %mul3A_2, %mul3A_300 : i32
      %dma_wait3A_302 = arith.constant 3 : i32
      %dma_wait3A_303 = arith.constant 3 : i32
      %dma_wait3A_304 = arith.constant 0 : i32
      %dma_wait3A_305 = arith.constant 0 : i32
      %dma_wait3A_306 = tpu.memref_slice %arg6[%dma_wait3A_302, %dma_wait3A_304, %dma_wait3A_305] : memref<4x128x64xf32, #tpu.memory_space<vmem>> -> memref<1x128x64xf32, #tpu.memory_space<vmem>>
      %dma_wait3A_307 = tpu.memref_squeeze %dma_wait3A_306 : memref<1x128x64xf32, #tpu.memory_space<vmem>> -> memref<128x64xf32, #tpu.memory_space<vmem>>
      %dma_wait3A_308 = arith.constant 0 : i32
      %dma_wait3A_309 = tpu.memref_slice %arg4[%add3A_301, %dma_wait3A_308] : memref<819200x64xf32, #tpu.memory_space<hbm>> -> memref<128x64xf32, #tpu.memory_space<hbm>>
      %dma_wait3A_310 = tpu.memref_slice %arg8[%dma_wait3A_303] : memref<4x!tpu.dma_semaphore, #tpu.memory_space<semaphore_mem>> -> memref<1x!tpu.dma_semaphore, #tpu.memory_space<semaphore_mem>>
      %dma_wait3A_311 = tpu.memref_squeeze %dma_wait3A_310 : memref<1x!tpu.dma_semaphore, #tpu.memory_space<semaphore_mem>> -> memref<!tpu.dma_semaphore, #tpu.memory_space<semaphore_mem>>
      %dma_wait3A_312 = arith.constant 0 : i32
      %dma_wait3A_313 = tpu.memref_slice %arg4[%add3A_301, %dma_wait3A_312] : memref<819200x64xf32, #tpu.memory_space<hbm>> -> memref<128x64xf32, #tpu.memory_space<hbm>>
      %dma_wait3A_314 = arith.constant 0 : i32
      %dma_wait3A_315 = arith.constant 0 : i32
      %dma_wait3A_316 = tpu.memref_slice %arg6[%dma_wait3A_302, %dma_wait3A_314, %dma_wait3A_315] : memref<4x128x64xf32, #tpu.memory_space<vmem>> -> memref<1x128x64xf32, #tpu.memory_space<vmem>>
      %dma_wait3A_317 = tpu.memref_squeeze %dma_wait3A_316 : memref<1x128x64xf32, #tpu.memory_space<vmem>> -> memref<128x64xf32, #tpu.memory_space<vmem>>
      tpu.wait_dma2 semaphore(%dma_wait3A_311 : memref<!tpu.dma_semaphore, #tpu.memory_space<semaphore_mem>>) src(%dma_wait3A_317 : memref<128x64xf32, #tpu.memory_space<vmem>>) dst(%dma_wait3A_313 : memref<128x64xf32, #tpu.memory_space<hbm>>)
      %lt3A_318 = arith.constant 200 : i32
      %lt3A_319 = arith.cmpi slt, %add3A_298, %lt3A_318 : i32
      %convert_element_type3A_320 = arith.extui %lt3A_319 : i1 to i32
      %cond3A_321 = arith.constant 0 : i32
      %cond3A_322 = arith.cmpi ne, %convert_element_type3A_320, %cond3A_321 : i32
      scf.if %cond3A_322 {
        %dma_start3A_323 = arith.constant 3 : i32
        %dma_start3A_324 = arith.constant 3 : i32
        %dma_start3A_325 = arith.constant 0 : i32
        %dma_start3A_326 = arith.constant 0 : i32
        %dma_start3A_327 = tpu.memref_slice %arg6[%dma_start3A_323, %dma_start3A_325, %dma_start3A_326] : memref<4x128x64xf32, #tpu.memory_space<vmem>> -> memref<1x128x64xf32, #tpu.memory_space<vmem>>
        %dma_start3A_328 = tpu.memref_squeeze %dma_start3A_327 : memref<1x128x64xf32, #tpu.memory_space<vmem>> -> memref<128x64xf32, #tpu.memory_space<vmem>>
        %dma_start3A_329 = arith.constant 0 : i32
        %dma_start3A_330 = tpu.memref_slice %arg5[%add3A_298, %dma_start3A_329] : memref<200x128xi32, #tpu.memory_space<vmem>> -> memref<1x128xi32, #tpu.memory_space<vmem>>
        %dma_start3A_331 = tpu.memref_squeeze %dma_start3A_330 : memref<1x128xi32, #tpu.memory_space<vmem>> -> memref<128xi32, #tpu.memory_space<vmem>>
        %dma_start3A_332 = arith.constant 0 : i32
        %dma_start3A_333 = arith.constant 0 : i32
        %dma_start3A_334 = tpu.memref_slice %arg3[%dma_start3A_332, %dma_start3A_333] : memref<1000000x64xf32, #tpu.memory_space<hbm>> -> memref<1000000x64xf32, #tpu.memory_space<hbm>>
        %dma_start3A_335 = tpu.memref_slice %arg7[%dma_start3A_324] : memref<4x!tpu.dma_semaphore, #tpu.memory_space<semaphore_mem>> -> memref<1x!tpu.dma_semaphore, #tpu.memory_space<semaphore_mem>>
        %dma_start3A_336 = tpu.memref_squeeze %dma_start3A_335 : memref<1x!tpu.dma_semaphore, #tpu.memory_space<semaphore_mem>> -> memref<!tpu.dma_semaphore, #tpu.memory_space<semaphore_mem>>
        tpu.enqueue_indirect_dma source(%dma_start3A_334 : memref<1000000x64xf32, #tpu.memory_space<hbm>>) target(%dma_start3A_328 : memref<128x64xf32, #tpu.memory_space<vmem>>) offsets(%dma_start3A_331 : memref<128xi32, #tpu.memory_space<vmem>>) semaphore(%dma_start3A_336 : memref<!tpu.dma_semaphore, #tpu.memory_space<semaphore_mem>>)
      } else {
      }
    }
    %scan3A_65 = arith.constant 50 : i32
    return
  }
}

</mosaic_0001>

<sc_bundles>
// kernel: _run.3.cloned.1.call-start
scs
__scs_entry_jumppad:
0x0: {  	(pc) =	sbr.rel $0x88, $3  }
0x1: {  	(tag) =	ssettag $0x0;
	lr =	simm.s32 $0x1  }
0x2: {  	[smem:$0x3F9F] =	sst lr;
	_ =	strace $0xD0000000  }
0x3: {  	_ = 	snop  }
0x4: {  	_ = 	snop  }
0x5: {  	_ = 	snop  }
0x6: {  	_ = 	snop  }
0x7: {  	_ = 	snop  }
__scs_overlays_trampoline_lowered:
0x8: {  	[smem:$0x3FAE] =	sst s0  }
0x9: {  	[smem:$0x3FAF] =	sst s1  }
0xa: {  	[smem:$0x3FB0] =	sst s2  }
0xb: {  	[smem:$0x3FB1] =	sst s3  }
0xc: {  	[smem:$0x3FB2] =	sst s4  }
0xd: {  	[smem:$0x3FB3] =	sst s5  }
0xe: {  	[smem:$0x3FB4] =	sst s6  }
0xf: {  	[smem:$0x3FB5] =	sst s7  }
0x10: {  	[smem:$0x3FB6] =	sst s8  }
0x11: {  	[smem:$0x3FB7] =	sst s9;
	s0 =	simm.s32 @!p0 $0x0  }
0x12: {  	s1 =	sld [smem:$0x3F9D];
	s0 =	simm.s32 @p0 $0x1  }
0x13: {  	[smem:$0x3FB8] =	sst s0;
	s0 =	simm.s32 @!p1 $0x0  }
0x14: {  	s2 =	sld [smem:$0x3F9C];
	s0 =	simm.s32 @p1 $0x1  }
0x15: {  	[smem:$0x3FB9] =	sst s0;
	s0 =	simm.s32 @!p2 $0x0  }
0x16: {  	s3 =	sld [smem:$0x3FDB];
	s0 =	simm.s32 @p2 $0x1  }
0x17: {  	s4 =	simm.s32 $0x1BF5;
	[smem:$0x3FBB] =	sst s0  }
0x18: {  	s0 =	sld [smem:$0x3F9E];
	_ =	swait.ge [sflag:s4], $0x0  }
0x19: {  	s7 =	sld [smem:$0x3F9F]  }
0x1a: {  	s8 =	sadd.s32 $0xFFFFE003, lr  }
0x1b: {  	s9 =	sadd.s32 $0xFFFFFEF7, lr;
	s5 =	simm.s32 $0xFFFFFFFF;
	p2 =	slt.u32 s8, $0xFFFFF086  }
0x1c: {  	p1 =	slt.u32 s9, $0xF7A;
	s5 =	simm.s32 @!p2 $0x0  }
0x1d: {  	s5 =	simm.s32 @p1 $0x1;
	p0 =	seq.s32 s7, s2  }
0x1e: {  	s7 =	smul.u32 @!p0 $0xF7A, s2;
	p2 =	seq.s32 @!p0 s5, $0x0  }
0x1f: {  	s9 =	smul.u32 $0xF7A, s1;
	s8 =	simm.s32 @!p0 $0x1BF5;
	p2 =	por !p2, p0  }
0x20: {  	[sflag:s8] =	ssyncset.s32 @!p0 $0xFFFFF086;
	s6 =	sadd.s32 @!p0 s3, s7;
	s7 =	simm.s32 @!p0 $0x108  }
0x21: {  	s3 =	sadd.s32 s3, s9;
	s6 =	sadd.s32 @!p0 $0x88, s6;
	s7 =	simm.s32 @p2 $0x1082  }
0x22: {  	[simem:s7], [sflag:s8] =	dma.local @!p0 [hbm:s6], $0xF7A  }
0x23: {  	s9 =	sor.u32 $0xD0000000, s2;
	s6 =	simm.s32 $0x108;
	_ =	swait.ge @!p0 [sflag:s8], $0x0  }
0x24: {  	s3 =	sadd.s32 $0x88, s3;
	s6 =	simm.s32 @!p1 $0x1082;
	[sflag:s4] =	ssyncset.s32 $0xFFFFF086  }
0x25: {  	[simem:s6], [sflag:s4] =	dma.local [hbm:s3], $0xF7A  }
0x26: {  	[smem:$0x3F9F] =	sst s1;
	(tag) =	ssettag s2;
	_ =	strace s9  }
0x27: {  	s1 =	sld [smem:$0x3FAF]  }
0x28: {  	s2 =	sld [smem:$0x3FB0]  }
0x29: {  	s4 =	sld [smem:$0x3FB2]  }
0x2a: {  	p0 =	seq.s32 s5, $0x0;
	s5 =	sld [smem:$0x3FB3]  }
0x2b: {  	s6 =	sld [smem:$0x3FB4]  }
0x2c: {  	s7 =	sld [smem:$0x3FB5]  }
0x2d: {  	s3 =	simm.s32 $0x108;
	s8 =	sld [smem:$0x3FB6]  }
0x2e: {  	s3 =	simm.s32 @!p0 $0x1082;
	s9 =	sld [smem:$0x3FB7]  }
0x2f: {  	lr =	sadd.s32 s0, s3;
	s0 =	sld [smem:$0x3FAE]  }
0x30: {  	s3 =	sld [smem:$0x3FB1]  }
0x31: {  	[smem:$0x3FBA] =	sst s10  }
0x32: {  	s10 =	sld [smem:$0x3FB8];
	_ =	sdelay $0x3  }
0x33: {  	p0 =	seq.s32 s10, $0x1;
	s10 =	sld [smem:$0x3FBA];
	_ =	sdelay $0x3  }
0x34: {  	[smem:$0x3FBA] =	sst s10  }
0x35: {  	s10 =	sld [smem:$0x3FB9];
	_ =	sdelay $0x3  }
0x36: {  	p1 =	seq.s32 s10, $0x1;
	s10 =	sld [smem:$0x3FBA];
	_ =	sdelay $0x3  }
0x37: {  	[smem:$0x3FBA] =	sst s10  }
0x38: {  	s10 =	sld [smem:$0x3FBB]  }
0x39: {  	_ = 	snop;
	(pc) =	sbr.ind lr, $3  }
0x3a: {  	_ = 	snop  }
0x3b: {  	_ = 	snop  }
0x3c: {  	p2 =	seq.s32 s10, $0x1;
	s10 =	sld [smem:$0x3FBA]  }
0x3d: {  	_ =	shalt  }
0x3e: {  	_ =	shalt  }
0x3f: {  	_ =	shalt  }
0x40: {  	_ =	shalt  }
0x41: {  	_ =	shalt  }
0x42: {  	_ =	shalt  }
0x43: {  	_ =	shalt  }
0x44: {  	_ =	shalt  }
0x45: {  	_ =	shalt  }
0x46: {  	_ =	shalt  }
0x47: {  	_ =	shalt  }
0x48: {  	_ =	shalt  }
0x49: {  	_ =	shalt  }
0x4a: {  	_ =	shalt  }
0x4b: {  	_ =	shalt  }
0x4c: {  	_ =	shalt  }
0x4d: {  	_ =	shalt  }
0x4e: {  	_ =	shalt  }
0x4f: {  	_ =	shalt  }
0x50: {  	_ =	shalt  }
0x51: {  	_ =	shalt  }
0x52: {  	_ =	shalt  }
0x53: {  	_ =	shalt  }
0x54: {  	_ =	shalt  }
0x55: {  	_ =	shalt  }
0x56: {  	_ =	shalt  }
0x57: {  	_ =	shalt  }
0x58: {  	_ =	shalt  }
0x59: {  	_ =	shalt  }
0x5a: {  	_ =	shalt  }
0x5b: {  	_ =	shalt  }
0x5c: {  	_ =	shalt  }
0x5d: {  	_ =	shalt  }
0x5e: {  	_ =	shalt  }
0x5f: {  	_ =	shalt  }
0x60: {  	_ =	shalt  }
0x61: {  	_ =	shalt  }
0x62: {  	_ =	shalt  }
0x63: {  	_ =	shalt  }
0x64: {  	_ =	shalt  }
0x65: {  	_ =	shalt  }
0x66: {  	_ =	shalt  }
0x67: {  	_ =	shalt  }
0x68: {  	_ =	shalt  }
0x69: {  	_ =	shalt  }
0x6a: {  	_ =	shalt  }
0x6b: {  	_ =	shalt  }
0x6c: {  	_ =	shalt  }
0x6d: {  	_ =	shalt  }
0x6e: {  	_ =	shalt  }
0x6f: {  	_ =	shalt  }
0x70: {  	_ =	shalt  }
0x71: {  	_ =	shalt  }
0x72: {  	_ =	shalt  }
0x73: {  	_ =	shalt  }
0x74: {  	_ =	shalt  }
0x75: {  	_ =	shalt  }
0x76: {  	_ =	shalt  }
0x77: {  	_ =	shalt  }
0x78: {  	_ =	shalt  }
0x79: {  	_ =	shalt  }
0x7a: {  	_ =	shalt  }
0x7b: {  	_ =	shalt  }
0x7c: {  	_ =	shalt  }
0x7d: {  	_ =	shalt  }
0x7e: {  	_ =	shalt  }
0x7f: {  	_ =	shalt  }
0x80: {  	_ =	shalt  }
0x81: {  	_ =	shalt  }
0x82: {  	_ =	shalt  }
0x83: {  	_ =	shalt  }
0x84: {  	_ =	shalt  }
0x85: {  	_ =	shalt  }
0x86: {  	_ =	shalt  }
0x87: {  	_ =	shalt  }
.Lfunc_end0:
.L_simem_size_0:
called_computation.1_lowered:
.L_overlay_start_0:
0x88: {  	s2 =	sld [smem:$0x3FD9]  }
0x89: {  	s3 =	sld [smem:$0x3FFE];
	_ =	sdelay $0x1  }
0x8a: {  	s1 =	srdreg.scid  }
0x8b: {  	s0 =	sand.u32 $0x1, s1  }
0x8c: {  	s17 =	sshll.u32 s0, $0xA;
	s2 =	sadd.s32 s3, s2  }
0x8d: {  	s2 =	sadd.s32 s2, s17  }
0x8e: {  	[smem:$0x3FC6] =	sst s2  }
0x8f: {  	_ = 	snop  }
0x90: {  	s2 =	sld [smem:$0x3FC9]  }
0x91: {  	s18 =	sld [smem:$0x3FD0];
	(tm) =	ssettm $0x1  }
0x92: {  	s4 =	sld [smem:$0x3FFB];
	_ =	sdelay $0x3  }
0x93: {  	_ =	strace s4  }
0x94: {  	s4 =	sld [smem:$0x3FFC];
	_ =	sdelay $0x3  }
0x95: {  	_ =	strace s4  }
0x96: {  	s4 =	sld [smem:$0x3FFD];
	_ =	sdelay $0x3  }
0x97: {  	_ =	strace s4  }
0x98: {  	_ =	strace $0x8FFFFFFF  }
0x99: {  	s19 =	sld [smem:$0x3FDB];
	_ =	sdelay $0x1  }
0x9a: {  	s5 =	simm.s32 $_scs_section_size  }
0x9b: {  	s6 =	simm.s32 $_size__tile_overlayer_lowered;
	s7 =	simm.s32 $_tile_overlayer_lowered  }
0x9c: {  	s22 =	simm.s32 $0x1BFF;
	s21 =	sshll.u32 s7, $0x1;
	s4 =	sadd.s32 s5, s19  }
0x9d: {  	s8 =	simm.s32 $0x0;
	s20 =	sshll.u32 s6, $0x1;
	s6 =	sadd.s32 s21, s4  }
0x9e: {  	[timem:s8], [sflag:s22] =	dma.local [hbm:s6], s20  }
0x9f: {  	_ =	swait.ge [sflag:s22], s20  }
0xa0: {  	s5 =	ssub.s32 $0x0, s20;
	[sflag:s22] =	ssyncset.done $0x0  }
0xa1: {  	[sflag:s22] =	ssyncadd.s32 s5;
	_ =	sdelay $0x1  }
0xa2: {  	s23 =	simm.s32 $0x1B8B  }
0xa3: {  	_ =	swait.ge [sflag:s23], $0x1  }
0xa4: {  	[sflag:s23] =	ssyncset.done $0x0  }
0xa5: {  	s25 =	simm.s32 $0x1B8E;
	s24 =	sld [smem:$0x3FFE];
	[sflag:s23] =	ssyncadd.s32 $0xFFFFFFFF  }
0xa6: {  	s26 =	simm.s32 $execute0_lowered;
	[smem:$0x3FD2] =	sst s25  }
0xa7: {  	s6 =	sshll.u32 s26, $0x1;
	_ =	strace $0x80000046;
	[dreg:$0x1] =	wrdreg $0xFFFFFFFF  }
0xa8: {  	s28 =	simm.s32 $_size_execute0_lowered;
	s4 =	sadd.s32 s4, s6;
	[dreg:$0x0] =	wrdreg $0x0  }
0xa9: {  	s6 =	sshll.u32 s28, $0x1;
	[dreg:$0x2] =	wrdreg s4  }
0xaa: {  	[dreg:$0x3] =	wrdreg s6  }
0xab: {  	[dreg:$0x4] =	wrdreg $0xC0  }
0xac: {  	_ =	task [dreg:s8], $0x5FFFF  }
0xad: {  	[dreg:$0x1] =	wrdreg $0xFFFFFFFF  }
0xae: {  	[dreg:$0x0] =	wrdreg $0x60  }
0xaf: {  	[dreg:$0x2] =	wrdreg s2  }
0xb0: {  	[dreg:$0x3] =	wrdreg s24  }
0xb1: {  	[dreg:$0x4] =	wrdreg s18  }
0xb2: {  	[dreg:$0x5] =	wrdreg $0x9  }
0xb3: {  	_ =	task.clear_ibuf [dreg:s8], $0x6FFFF;
	_ =	strace $0x90000046  }
0xb4: {  	s29 =	simm.s32 $0x9;
	_ =	strace $0x80000048  }
0xb5: {  	_ =	swait.ge [sflag:s29], $0x1  }
0xb6: {  	[sflag:s29] =	ssyncadd.s32 $0xFFFFFFFF  }
0xb7: {  	_ =	strace $0x90000048  }
0xb8: {  	_ =	sfence  }
0xb9: {  	s30 =	sld [smem:$0x0];
	_ =	sdelay $0x2  }
0xba: {  	s31 =	sshll.u32 s1, $0xD;
	s1 =	sshrl.u32 s1, $0x2  }
0xbb: {  	s3 =	sand.u32 $0x4000, s31;
	s1 =	sadd.s32 s1, s30  }
0xbc: {  	s0 =	sor.u32 s3, s0;
	s1 =	sshll.u32 s1, $0x11  }
0xbd: {  	s0 =	sor.u32 s1, s0  }
0xbe: {  	s0 =	sadd.s32 $0x8F2B, s0  }
0xbf: {  	[sflag:s0] =	ssyncadd.remote.s32 $0x1  }
0xc0: {  	_ =	sfence.sel $0xFFFF  }
0xc1: {  	[dreg:$0x0] =	wrdreg $0xFFFFFFFF;
	(pc) =	sbr.abs _section_cstart, $3  }
0xc2: {  	[dreg:$0x1] =	wrdreg $0xFFFFFFFF  }
0xc3: {  	_ =	task.clear_ibuf [dreg:s8], $0x2FFFF;
	_ =	strace $0x9FFFFFFF  }
0xc4: {  	(tm) =	ssettm $0x7FFFFFFF  }
0xc5: {  	_ =	shalt  }
tec
execute0_lowered:
.L_overlay_start_1:
0x0: {  	(tag) =	ssettag $0x1  }
0x1: {  	s1 =	srdreg.scid;
	s4 =	rddreg [dreg:$0x0]  }
0x2: {  	s0 =	stileid.u32;
	s3 =	rddreg [dreg:$0x1]  }
0x3: {  	s6 =	rddreg [dreg:$0x2];
	s12 =	simm.s32 $0x6400;
	s13 =	simm.s32 $0x8400  }
0x4: {  	s15 =	simm.s32 $0xA400;
	s16 =	simm.s32 $0x180;
	s17 =	simm.s32 $0xC400  }
0x5: {  	s18 =	simm.s32 $0x1;
	s19 =	simm.s32 $0x2;
	s20 =	simm.s32 $0x3  }
0x6: {  	s21 =	simm.s32 $0x4;
	s22 =	simm.s32 $0x5;
	s23 =	simm.s32 $0x6  }
0x7: {  	s24 =	simm.s32 $0x7;
	s25 =	simm.s32 $0x8;
	s7 =	smul.u32 $0x320000, s0  }
0x8: {  	s26 =	simm.s32 $0x0;
	s1 =	sand.u32 $0x1, s1;
	s8 =	smul.u32 $0xC800, s0  }
0x9: {  	s2 =	sshll.u32 s0, $0x1;
	s3 =	sadd.s32 $0xF42C00, s3;
	s10 =	smul.u32 $0x6400, s1  }
0xa: {  	s2 =	sor.u32 s1, s2;
	s9 =	ssub.s32 $0x2, s1;
	s1 =	smul.u32 $0x190000, s1  }
0xb: {  	s5 =	smul.u32 $0x6400, s2;
	s2 =	simm.s32 $0x0;
	s11 =	sshrl.u32 s9, $0x1  }
0xc: {  	[smem:$0x7FF] =	sst s2;
	s9 =	ssub.s32 s9, s11;
	s8 =	sadd.s32 s10, s8  }
.Ltmp0:
0xd: {  	s1 =	sadd.s32 s1, s7;
	s10 =	simm.s32 $0x9;
	(pc) =	sbr.rel .LBB2_1-.Ltmp0, $4  }
0xe: {  	s11 =	simm.s32 $0x80;
	_ =	strace $0x80000047;
	s5 =	sshrl.u32 s5, $0x3  }
0xf: {  	s30 =	sshll.u32 s8, $0x3;
	s1 =	sshrl.u32 s1, $0x3;
	s4 =	sadd.s32 s4, s5  }
0x10: {  	s5 =	smax.u32 s9, $0x1;
	s31 =	sadd.s32 s30, s6;
	s6 =	sadd.s32 s1, s6  }
0x11: {  	s7 =	sadd.s32 $0xC00, s31;
	s8 =	sadd.s32 $0x800, s31;
	s9 =	sadd.s32 $0x400, s31  }
.LBB2_4:
0x12: {  	_ =	swait.ge [sflag:s23], $0x2000  }
0x13: {  	[sflag:s23] =	ssyncset.done $0x0  }
0x14: {  	s26 =	sadd.s32 $0x1, s26;
	[sflag:s23] =	ssyncadd.s32 $0xFFFFE000  }
0x15: {  	p0 =	sne.s32 s26, s5;
	_ =	swait.ge [sflag:s24], $0x2000  }
.Ltmp1:
0x16: {  	[sflag:s24] =	ssyncset.done $0x0;
	(pc) =	sbr.rel @!p0 .LBB2_5-.Ltmp1, $4  }
0x17: {  	[sflag:s24] =	ssyncadd.s32 $0xFFFFE000  }
0x18: {  	_ =	swait.ge [sflag:s25], $0x2000  }
0x19: {  	[sflag:s25] =	ssyncset.done $0x0  }
0x1a: {  	[sflag:s25] =	ssyncadd.s32 $0xFFFFE000  }
.LBB2_1:
0x1b: {  	[tilespmem:s2], [sflag:$0x9] =	stream.linear.gather [hbm4b:s4+s2], $0x6400, $0x38;
	[tilespmem:$0xE400] =	vst v63  }
0x1c: {  	_ =	swait.ge [sflag:s10], $0x6400  }
0x1d: {  	[sflag:s10] =	ssyncset.done $0x0  }
0x1e: {  	[sflag:s10] =	ssyncadd.s32 $0xFFFF9C00  }
0x1f: {  	[tilespmem:s12], [sflag:$0x1] =	stream.indirect.gather [hbm4b:s3+s11], $0x40, s2, s11, $0xb8;
	[tilespmem:$0xE400] =	vst v63  }
0x20: {  	_ = 	snop  }
0x21: {  	[tilespmem:s13], [sflag:$0x2] =	stream.indirect.gather [hbm4b:s3+s11], $0x40, s11, s11, $0xb8;
	[tilespmem:$0xE400] =	vst v63  }
0x22: {  	s0 =	simm.s32 $0x100;
	s28 =	smov.u32 s9;
	s29 =	smov.u32 s8  }
0x23: {  	[tilespmem:s15], [sflag:$0x3] =	stream.indirect.gather [hbm4b:s3+s11], $0x40, s0, s11, $0xb8;
	[tilespmem:$0xE400] =	vst v63  }
0x24: {  	s30 =	smov.u32 s7;
	s31 =	smov.u32 s6;
	s1 =	simm.s32 $0x0  }
0x25: {  	[tilespmem:s17], [sflag:$0x4] =	stream.indirect.gather [hbm4b:s3+s11], $0x40, s16, s11, $0xb8;
	[tilespmem:$0xE400] =	vst v63  }
.LBB2_2:
0x26: {  	_ =	swait.ge [sflag:s18], $0x2000  }
0x27: {  	[sflag:s18] =	ssyncset.done $0x0  }
0x28: {  	[sflag:s18] =	ssyncadd.s32 $0xFFFFE000  }
0x29: {  	[hbm4b:s31+s2] =	stream.linear.scatter [tilespmem:s12], [sflag:$0x5], $0x2000, $0x38;
	[tilespmem:$0xE400] =	vst v63  }
0x2a: {  	_ =	swait.ge [sflag:s19], $0x2000  }
0x2b: {  	[sflag:s19] =	ssyncset.done $0x0  }
0x2c: {  	[sflag:s19] =	ssyncadd.s32 $0xFFFFE000  }
0x2d: {  	[hbm4b:s28+s2] =	stream.linear.scatter [tilespmem:s13], [sflag:$0x6], $0x2000, $0x38;
	[tilespmem:$0xE400] =	vst v63  }
0x2e: {  	_ =	swait.ge [sflag:s20], $0x2000  }
0x2f: {  	[sflag:s20] =	ssyncset.done $0x0  }
0x30: {  	[sflag:s20] =	ssyncadd.s32 $0xFFFFE000  }
0x31: {  	[hbm4b:s29+s2] =	stream.linear.scatter [tilespmem:s15], [sflag:$0x7], $0x2000, $0x38;
	[tilespmem:$0xE400] =	vst v63  }
0x32: {  	_ =	swait.ge [sflag:s21], $0x2000  }
0x33: {  	p0 =	seq.s32 s1, $0x18800;
	[sflag:s21] =	ssyncset.done $0x0  }
.Ltmp2:
0x34: {  	[sflag:s21] =	ssyncadd.s32 $0xFFFFE000;
	(pc) =	sbr.rel @p0 .LBB2_4-.Ltmp2, $4  }
0x35: {  	[hbm4b:s30+s2] =	stream.linear.scatter [tilespmem:s17], [sflag:$0x8], $0x2000, $0x38;
	[tilespmem:$0xE400] =	vst v63  }
0x36: {  	_ =	swait.ge [sflag:s22], $0x2000  }
0x37: {  	[sflag:s22] =	ssyncset.done $0x0  }
0x38: {  	[sflag:s22] =	ssyncadd.s32 $0xFFFFE000  }
0x39: {  	s0 =	sshra.s32 s1, $0x2  }
0x3a: {  	s14 =	sadd.s32 $0x200, s0  }
0x3b: {  	[tilespmem:s12], [sflag:$0x1] =	stream.indirect.gather [hbm4b:s3+s11], $0x40, s14, s11, $0xb8;
	[tilespmem:$0xE400] =	vst v63  }
0x3c: {  	_ =	swait.ge [sflag:s23], $0x2000  }
0x3d: {  	[sflag:s23] =	ssyncset.done $0x0  }
0x3e: {  	s14 =	sadd.s32 $0x280, s0;
	[sflag:s23] =	ssyncadd.s32 $0xFFFFE000  }
0x3f: {  	[tilespmem:s13], [sflag:$0x2] =	stream.indirect.gather [hbm4b:s3+s11], $0x40, s14, s11, $0xb8;
	[tilespmem:$0xE400] =	vst v63  }
0x40: {  	_ =	swait.ge [sflag:s24], $0x2000  }
0x41: {  	[sflag:s24] =	ssyncset.done $0x0  }
0x42: {  	s14 =	sadd.s32 $0x300, s0;
	[sflag:s24] =	ssyncadd.s32 $0xFFFFE000  }
0x43: {  	[tilespmem:s15], [sflag:$0x3] =	stream.indirect.gather [hbm4b:s3+s11], $0x40, s14, s11, $0xb8;
	[tilespmem:$0xE400] =	vst v63  }
.Ltmp3:
0x44: {  	_ = 	snop;
	(pc) =	sbr.rel .LBB2_2-.Ltmp3, $4  }
0x45: {  	s1 =	sadd.s32 $0x800, s1;
	s31 =	sadd.s32 $0x1000, s31;
	_ =	swait.ge [sflag:s25], $0x2000  }
0x46: {  	s30 =	sadd.s32 $0x1000, s30;
	s29 =	sadd.s32 $0x1000, s29;
	[sflag:s25] =	ssyncset.done $0x0  }
0x47: {  	s28 =	sadd.s32 $0x1000, s28;
	s0 =	sadd.s32 $0x380, s0;
	[sflag:s25] =	ssyncadd.s32 $0xFFFFE000  }
0x48: {  	[tilespmem:s17], [sflag:$0x4] =	stream.indirect.gather [hbm4b:s3+s11], $0x40, s0, s11, $0xb8;
	[tilespmem:$0xE400] =	vst v63  }
.LBB2_5:
0x49: {  	_ =	sfence.sel $0x180000  }
0x4a: {  	[bflag:$0x0] =	sbarrier.arrive $0xFFFF  }
0x4b: {  	_ =	strace $0x90000047  }
0x4c: {  	s0 =	stileid.u32;
	[bflag:$0x2] =	sbarrier.arrive $0xFFFF  }
0x4d: {  	p0 =	sne.s32 s0, $0x0;
	s0 =	rddreg [dreg:$0x3]  }
0x4e: {  	s0 =	sadd.s32 @!p0 $0x100000, s0  }
0x4f: {  	[sflag:s0] =	ssyncadd.tile.s32 @!p0 $0x1;
	_ =	shalt  }
.Lfunc_end2:
_tile_overlayer_lowered:
.L_overlay_start_2:
0x50: {  	(tag) =	ssettag $0x2  }
0x51: {  	s0 =	rddreg [dreg:$0x0];
	s2 =	stileid.u32  }
0x52: {  	s1 =	rddreg [dreg:$0x1];
	p0 =	sne.s32 s2, $0x0  }
0x53: {  	s3 =	rddreg [dreg:$0x2];
	[bflag:$0x3] =	sbarrier.arrive $0xFFFF;
	s2 =	simm.s32 @!p0 $0x1C09  }
0x54: {  	[timem:s3], [sflag:s2] =	dma.local @!p0 [hbm:s0], s1  }
0x55: {  	s0 =	simm.s32 @!p0 $0x9  }
0x56: {  	_ =	swait.ge @!p0 [sflag:s0], s1  }
0x57: {  	s1 =	ssub.s32 @!p0 $0x0, s1;
	[sflag:s0] =	ssyncset.done @!p0 $0x0  }
0x58: {  	[sflag:s0] =	ssyncadd.s32 @!p0 s1  }
0x59: {  	[bflag:$0x3] =	sbarrier.arrive $0xFFFF  }
0x5a: {  	_ =	shalt  }

// kernel: sparse-core-data-format-call.cloned.1.call-start
scs
called_computation_lowered:
.L_overlay_start_0:
0x0: {  	s2 =	sld [smem:$0x3FD9]  }
0x1: {  	s3 =	sld [smem:$0x3FFE];
	_ =	sdelay $0x1  }
0x2: {  	s1 =	srdreg.scid  }
0x3: {  	s0 =	sand.u32 $0x1, s1  }
0x4: {  	s18 =	sshll.u32 s0, $0xA;
	s2 =	sadd.s32 s3, s2  }
0x5: {  	s2 =	sadd.s32 s2, s18  }
0x6: {  	[smem:$0x3FC6] =	sst s2  }
0x7: {  	_ = 	snop  }
0x8: {  	s2 =	sld [smem:$0x3FD0];
	(tm) =	ssettm $0x1  }
0x9: {  	s19 =	sld [smem:$0x3FFB];
	_ =	sdelay $0x3  }
0xa: {  	_ =	strace s19  }
0xb: {  	s3 =	sld [smem:$0x3FFC];
	_ =	sdelay $0x3  }
0xc: {  	_ =	strace s3  }
0xd: {  	s3 =	sld [smem:$0x3FFD];
	_ =	sdelay $0x3  }
0xe: {  	_ =	strace s3  }
0xf: {  	_ =	strace $0x8FFFFFFF  }
0x10: {  	s20 =	sld [smem:$0x3FDB];
	_ =	sdelay $0x1  }
0x11: {  	s4 =	simm.s32 $_scs_section_size  }
0x12: {  	s5 =	simm.s32 $_size__tile_overlayer_lowered;
	s6 =	simm.s32 $_tile_overlayer_lowered  }
0x13: {  	s23 =	simm.s32 $0x1BFF;
	s22 =	sshll.u32 s6, $0x1;
	s3 =	sadd.s32 s4, s20  }
0x14: {  	s7 =	simm.s32 $0x0;
	s21 =	sshll.u32 s5, $0x1;
	s5 =	sadd.s32 s22, s3  }
0x15: {  	[timem:s7], [sflag:s23] =	dma.local [hbm:s5], s21  }
0x16: {  	_ =	swait.ge [sflag:s23], s21  }
0x17: {  	s4 =	ssub.s32 $0x0, s21;
	[sflag:s23] =	ssyncset.done $0x0  }
0x18: {  	[sflag:s23] =	ssyncadd.s32 s4;
	_ =	sdelay $0x1  }
0x19: {  	s24 =	simm.s32 $0x1B8B  }
0x1a: {  	_ =	swait.ge [sflag:s24], $0x1  }
0x1b: {  	[sflag:s24] =	ssyncset.done $0x0  }
0x1c: {  	s26 =	simm.s32 $0x1B8E;
	s25 =	sld [smem:$0x3FFE];
	[sflag:s24] =	ssyncadd.s32 $0xFFFFFFFF  }
0x1d: {  	s27 =	simm.s32 $execute0_lowered;
	[smem:$0x3FD2] =	sst s26  }
0x1e: {  	s5 =	sshll.u32 s27, $0x1;
	_ =	strace $0x80000049;
	[dreg:$0x1] =	wrdreg $0xFFFFFFFF  }
0x1f: {  	s28 =	simm.s32 $_size_execute0_lowered;
	s3 =	sadd.s32 s3, s5;
	[dreg:$0x0] =	wrdreg $0x0  }
0x20: {  	s5 =	sshll.u32 s28, $0x1;
	[dreg:$0x2] =	wrdreg s3  }
0x21: {  	[dreg:$0x3] =	wrdreg s5  }
0x22: {  	[dreg:$0x4] =	wrdreg $0xC0  }
0x23: {  	_ =	task [dreg:s7], $0x5FFFF  }
0x24: {  	[dreg:$0x1] =	wrdreg $0xFFFFFFFF  }
0x25: {  	[dreg:$0x0] =	wrdreg $0x60  }
0x26: {  	[dreg:$0x2] =	wrdreg s25  }
0x27: {  	[dreg:$0x3] =	wrdreg s2  }
0x28: {  	[dreg:$0x4] =	wrdreg $0x9  }
0x29: {  	_ =	task.clear_ibuf [dreg:s7], $0x5FFFF;
	_ =	strace $0x90000049  }
0x2a: {  	s29 =	simm.s32 $0x9;
	_ =	strace $0x8000004B  }
0x2b: {  	_ =	swait.ge [sflag:s29], $0x1  }
0x2c: {  	[sflag:s29] =	ssyncadd.s32 $0xFFFFFFFF  }
0x2d: {  	_ =	strace $0x9000004B  }
0x2e: {  	_ =	sfence  }
0x2f: {  	s30 =	sld [smem:$0x0];
	_ =	sdelay $0x2  }
0x30: {  	s31 =	sshll.u32 s1, $0xD;
	s1 =	sshrl.u32 s1, $0x2  }
0x31: {  	s3 =	sand.u32 $0x4000, s31;
	s1 =	sadd.s32 s1, s30  }
0x32: {  	s0 =	sor.u32 s3, s0;
	s1 =	sshll.u32 s1, $0x11  }
0x33: {  	s0 =	sor.u32 s1, s0  }
0x34: {  	s0 =	sadd.s32 $0x8F2B, s0  }
0x35: {  	[sflag:s0] =	ssyncadd.remote.s32 $0x1  }
0x36: {  	_ =	sfence.sel $0xFFFF  }
0x37: {  	[dreg:$0x0] =	wrdreg $0xFFFFFFFF;
	(pc) =	sbr.abs _section_cstart, $3  }
0x38: {  	[dreg:$0x1] =	wrdreg $0xFFFFFFFF  }
0x39: {  	_ =	task.clear_ibuf [dreg:s7], $0x2FFFF;
	_ =	strace $0x9FFFFFFF  }
0x3a: {  	(tm) =	ssettm $0x7FFFFFFF  }
0x3b: {  	_ =	shalt  }
tec
execute0_lowered:
.L_overlay_start_1:
0x0: {  	(tag) =	ssettag $0x1  }
0x1: {  	s0 =	srdreg.scid  }
0x2: {  	s1 =	sshll.u32 s0, $0x4  }
0x3: {  	s4 =	rddreg [dreg:$0x0];
	s0 =	stileid.u32;
	s1 =	sand.u32 $0x10, s1  }
0x4: {  	s2 =	rddreg [dreg:$0x1];
	s7 =	simm.s32 $0x1;
	s1 =	sor.u32 s0, s1  }
0x5: {  	s8 =	simm.s32 $0x2;
	s11 =	simm.s32 $0x0;
	s3 =	sshll.u32 s1, $0x7  }
0x6: {  	s10 =	simm.s32 $0x0;
	s4 =	sadd.s32 $0x800, s4;
	s6 =	ssub.s32 $0xC8000, s3  }
.Ltmp0:
0x7: {  	s1 =	rddreg [dreg:$0x2];
	s5 =	sand.u32 $0xF80, s6;
	(pc) =	sbr.rel .LBB1_1-.Ltmp0, $4  }
0x8: {  	_ =	strace $0x8000004A;
	s9 =	smov.u32 s3;
	p0 =	sne.s32 s5, $0x0  }
0x9: {  	s6 =	sshrl.u32 s6, $0xC;
	s5 =	simm.s32 $0x1;
	s7 =	simm.s32 @!p0 $0x0  }
0xa: {  	[sflag:s5] =	ssyncpa.u1 $0x0;
	p0 =	por $0x0, $0x0;
	s6 =	sadd.s32 s7, s6  }
0xb: {  	[sflag:s8] =	ssyncpa.u1 $0x0;
	s8 =	simm.s32 $0x640000;
	s7 =	sadd.s32 $0x1, s6  }
.LBB1_4:
0xc: {  	s14 =	sshll.u32 s11, $0x3  }
0xd: {  	s30 =	sand.u32 $0x7F, s11;
	s15 =	sand.u32 $0xFFFFFC00, s14  }
0xe: {  	s11 =	sor.u32 s30, s15  }
0xf: {  	s15 =	smulhi.u32 $0x51EB851F, s11  }
0x10: {  	s14 =	smulhi.u32 $0x51EB851F, s14  }
0x11: {  	s15 =	sshrl.u32 s15, $0x12  }
0x12: {  	s14 =	sshrl.u32 s14, $0x12;
	s15 =	smul.u32 $0xC8000, s15  }
0x13: {  	s14 =	sand.u32 $0x3F, s14  }
0x14: {  	s14 =	smul.u32 $0x19000, s14;
	s11 =	ssub.s32 s11, s15  }
0x15: {  	[tilespmem:s13+$0x810 ss:$0x81] =	vst.msk $0xffff, v2;
	s15 =	sand.u32 $0x7, s11  }
0x16: {  	[tilespmem:s13+$0x1020 ss:$0x81] =	vst.msk $0xffff, v0;
	s14 =	sadd.s32 s2, s14;
	s11 =	sshrl.u32 s11, $0x3;
	s15 =	sshll.u32 s15, $0x12  }
0x17: {  	[tilespmem:s13+$0x0 ss:$0x81] =	vst.msk $0xffff, v1;
	s11 =	sadd.s32 s11, s14;
	s31 =	sor.u32 $0x400, s15  }
0x18: {  	[hbm4b:s11+s31] =	stream.strided.scatter [tilespmem:s12], [sflag:$0x2], $0x2000, s8, s31, $0x20;
	[tilespmem:$0x8080] =	vst v63  }
.LBB1_5:
0x19: {  	s13 =	sadd.s32 $0x1000, s9  }
0x1a: {  	p2 =	sgt.s32 s13, $0xC7FFF  }
0x1b: {  	s13 =	smov.u32 @p2 s3;
	p2 =	sne.s32 s10, s7  }
.Ltmp1:
0x1c: {  	p1 =	slt.u32 s10, $0x2;
	(pc) =	sbr.rel @!p2 .LBB1_6-.Ltmp1, $4  }
0x1d: {  	s12 =	simm.s32 @!p1 $0x2  }
0x1e: {  	s14 =	sadd.s32 $0x1, s10;
	_ =	swait.ge @!p1 [sflag:s12], $0x2000  }
0x1f: {  	s11 =	smov.u32 s9;
	p0 =	por !p0, !p0;
	[sflag:s12] =	ssyncset.done @!p1 $0x0  }
0x20: {  	s10 =	smov.u32 s14;
	s9 =	smov.u32 s13;
	[sflag:s12] =	ssyncadd.s32 @!p1 $0xFFFFE000  }
.LBB1_1:
0x21: {  	p1 =	sge.u32 s10, s6  }
0x22: {  	s12 =	sand.u32 @!p1 $0x1FFFFFF, s9  }
0x23: {  	s13 =	smulhi.u32 @!p1 $0x147AE15, s12;
	_ =	sdelay $0x1  }
0x24: {  	s13 =	sshrl.u32 @!p1 s13, $0xC  }
0x25: {  	s13 =	smul.u32 @!p1 $0xC8000, s13;
	_ =	sdelay $0x1  }
0x26: {  	s31 =	sadd.s32 $0xFFFFFFFF, s10;
	s14 =	sxor.u32 @!p1 $0xFFFFFFFF, s10;
	s12 =	ssub.s32 @!p1 s12, s13  }
0x27: {  	s15 =	simm.s32 @!p1 $0x80;
	s14 =	sshll.u32 @!p1 s14, $0xD;
	s12 =	sshll.u32 @!p1 s12, $0x4  }
0x28: {  	s13 =	sand.u32 @!p1 $0x2000, s14;
	s14 =	simm.s32 @!p1 $0x40;
	s12 =	sadd.s32 @!p1 s4, s12  }
0x29: {  	[tilespmem:s13], [sflag:$0x1] =	stream.strided.gather @!p1 [hbm4b:s12+s14], $0x2000, s15, s14, $0x38;
	[tilespmem:$0x8080] =	vst v63  }
0x2a: {  	p1 =	sge.u32 s31, s6  }
.Ltmp2:
0x2b: {  	_ = 	snop;
	(pc) =	sbr.rel @p1 .LBB1_5-.Ltmp2, $1  }
0x2c: {  	_ =	sdelay $0x3  }
0x2d: {  	s12 =	simm.s32 $0x1  }
0x2e: {  	_ =	swait.ge [sflag:s5], $0x2000;
	s12 =	simm.s32 @!p0 $0x0  }
0x2f: {  	[sflag:s5] =	ssyncset.done $0x0;
	s13 =	sshll.u32 s12, $0xD  }
0x30: {  	[sflag:s5] =	ssyncadd.s32 $0xFFFFE000;
	s16 =	sor.u32 $0x20, s13  }
0x31: {  	s12 =	smul.u32 $0x8100, s12;
	v3 =	vld [tilespmem:s16+$0x10]  }
0x32: {  	s30 =	sand.u32 $0x1, s10;
	v2 =	vld [tilespmem:s16+$0xFFFFFFF0]  }
0x33: {  	s13 =	smul.u32 $0x8100, s30;
	s12 =	sshrl.u32 s12, $0x2;
	v0 =	vld [tilespmem:s16+$0x0]  }
0x34: {  	v1 =	vld [tilespmem:s16+$0xFFFFFFE0];
	s14 =	sor.u32 $0x4000, s12  }
0x35: {  	s31 =	sshrl.u32 s13, $0x2;
	s13 =	sadd.s32 $0x0, s14  }
0x36: {  	s15 =	simm.s32 $0x4;
	s16 =	sadd.s32 $0x40, s16;
	s12 =	sor.u32 $0x4000, s31;
	[tilespmem:s13+$0x1830 ss:$0x81] =	vst.msk $0xffff, v3  }
.LBB1_3:
0x37: {  	v3 =	vld [tilespmem:s16+$0x10];
	p1 =	sne.s32 s15, $0x1FC;
	[tilespmem:s13+$0x810 ss:$0x81] =	vst.msk $0xffff, v2;
	s17 =	smov.u32 s15;
	s15 =	sadd.s32 $0x4, s15  }
.Ltmp3:
0x38: {  	v2 =	vld [tilespmem:s16+$0xFFFFFFF0];
	[tilespmem:s13+$0x1020 ss:$0x81] =	vst.msk $0xffff, v0;
	(pc) =	sbr.rel @p1 .LBB1_3-.Ltmp3, $4  }
0x39: {  	v0 =	vld [tilespmem:s16+$0x0];
	[tilespmem:s13+$0x0 ss:$0x81] =	vst.msk $0xffff, v1  }
0x3a: {  	s13 =	sshra.s32 s17, $0x2;
	v1 =	vld [tilespmem:s16+$0xFFFFFFE0]  }
0x3b: {  	s13 =	sadd.s32 s13, s14  }
0x3c: {  	s16 =	sadd.s32 $0x40, s16;
	[tilespmem:s13+$0x1830 ss:$0x81] =	vst.msk $0xffff, v3  }
.Ltmp4:
0x3d: {  	_ = 	snop;
	(pc) =	sbr.rel .LBB1_4-.Ltmp4, $1  }
0x3e: {  	_ =	sdelay $0x3  }
.LBB1_6:
0x3f: {  	_ =	sfence.sel $0x180000  }
0x40: {  	s2 =	simm.s32 $0x1;
	[bflag:$0x0] =	sbarrier.arrive $0xFFFF  }
0x41: {  	s31 =	simm.s32 $0x2;
	[sflag:s2] =	ssyncpa.u1 $0x1  }
0x42: {  	[sflag:s31] =	ssyncpa.u1 $0x1  }
0x43: {  	p0 =	sne.s32 s0, $0x0;
	_ =	strace $0x9000004A  }
0x44: {  	s0 =	sadd.s32 @!p0 $0x100000, s1;
	[bflag:$0x2] =	sbarrier.arrive $0xFFFF  }
0x45: {  	[sflag:s0] =	ssyncadd.tile.s32 @!p0 $0x1;
	_ =	shalt  }
.Lfunc_end1:
_tile_overlayer_lowered:
.L_overlay_start_2:
0x46: {  	(tag) =	ssettag $0x2  }
0x47: {  	s0 =	rddreg [dreg:$0x0];
	s2 =	stileid.u32  }
0x48: {  	s1 =	rddreg [dreg:$0x1];
	p0 =	sne.s32 s2, $0x0  }
0x49: {  	s3 =	rddreg [dreg:$0x2];
	[bflag:$0x3] =	sbarrier.arrive $0xFFFF;
	s2 =	simm.s32 @!p0 $0x1C01  }
0x4a: {  	[timem:s3], [sflag:s2] =	dma.local @!p0 [hbm:s0], s1  }
0x4b: {  	s0 =	simm.s32 @!p0 $0x1  }
0x4c: {  	_ =	swait.ge @!p0 [sflag:s0], s1  }
0x4d: {  	s1 =	ssub.s32 @!p0 $0x0, s1;
	[sflag:s0] =	ssyncset.done @!p0 $0x0  }
0x4e: {  	[sflag:s0] =	ssyncadd.s32 @!p0 s1  }
0x4f: {  	[bflag:$0x3] =	sbarrier.arrive $0xFFFF  }
0x50: {  	_ =	shalt  }

</sc_bundles>
